<compile_context>
chip_gen: v7x
topology: tpu7x:2x2x1
jax: 0.10.2.dev20260603
libtpu: 0.0.44.dev20260713+nightly
codegen_flags: <defaults>
</compile_context>

<pallas_src>
import functools

import jax
import jax.numpy as jnp
from jax import lax
from jax.experimental import pallas as pl
from jax.experimental.pallas import tpu as pltpu
from jax.experimental.pallas import tpu_sc as plsc

B, N, D = 4, 256, 64
E = N * N
NW = 32
EPW = E // NW
CH = 256
ROWS_PW = 2 * EPW * B
NCHUNK = ROWS_PW // CH
CPB = 2 * EPW // CH
NB = 2
NG = NCHUNK // NB
NP = NG // 2


def _sc_gather(hv_flat, v1, v2):
    mesh = plsc.VectorSubcoreMesh(core_axis_name="c", subcore_axis_name="s")

    @functools.partial(
        pl.kernel,
        mesh=mesh,
        compiler_params=pltpu.CompilerParams(
            needs_layout_passes=False, use_tc_tiling_on_sc=False),
        out_type=jax.ShapeDtypeStruct((B * E * 2, D), jnp.float32),
        scratch_types=[
            pltpu.VMEM((EPW,), jnp.int32),
            pltpu.VMEM((EPW,), jnp.int32),
            pltpu.VMEM((NCHUNK * CH,), jnp.int32),
            pltpu.VMEM_SHARED((B * N, D), jnp.float32),
            pltpu.VMEM((2, NB, CH, D), jnp.float32),
            pltpu.SemaphoreType.DMA,
            pltpu.SemaphoreType.DMA,
            pltpu.SemaphoreType.DMA,
            pltpu.SemaphoreType.DMA,
        ],
    )
    def k(hv_hbm, v1_hbm, v2_hbm, out_hbm,
          v1_v, v2_v, idx_v, hv_v, bufs, gsem, ssem_a, ssem_b, psem):
        wid = lax.axis_index("s") * 2 + lax.axis_index("c")
        ebase = wid * EPW
        sub0 = lax.axis_index("s") == 0

        @pl.when(sub0)
        def _():
            pltpu.async_copy(hv_hbm, hv_v, psem)

        v1c = pltpu.make_async_copy(v1_hbm.at[pl.ds(ebase, EPW)], v1_v, gsem)
        v2c = pltpu.make_async_copy(v2_hbm.at[pl.ds(ebase, EPW)], v2_v, gsem)
        v1c.start()
        v2c.start()
        v1c.wait()
        v2c.wait()

        iota = lax.iota(jnp.int32, 16)

        def build(j, _):
            a = v1_v[pl.ds(j * 16, 16)]
            bvec = v2_v[pl.ds(j * 16, 16)]
            pos_a = j * 32 + 2 * iota
            plsc.store_scatter(idx_v, [pos_a], a)
            plsc.store_scatter(idx_v, [pos_a + 1], bvec)
            return 0

        lax.fori_loop(0, EPW // 16, build, 0)

        def build_rest(j, _):
            a = v1_v[pl.ds(j * 16, 16)]
            bvec = v2_v[pl.ds(j * 16, 16)]
            pos_a = j * 32 + 2 * iota
            for bb in range(1, B):
                plsc.store_scatter(idx_v, [pos_a + bb * (2 * EPW)], a + N * bb)
                plsc.store_scatter(
                    idx_v, [pos_a + bb * (2 * EPW) + 1], bvec + N * bb)
            return 0

        def out_base(c):
            bb = c // CPB
            lc = c - bb * CPB
            return bb * (2 * E) + wid * (2 * EPW) + lc * CH

        def g_copy(c, dset, s):
            return pltpu.make_async_copy(
                hv_v.at[idx_v.at[pl.ds(c * CH, CH)]],
                bufs.at[dset, s], gsem)

        def s_copy(c, dset, s, sem):
            return pltpu.make_async_copy(
                bufs.at[dset, s], out_hbm.at[pl.ds(out_base(c), CH)], sem)

        @pl.when(sub0)
        def _():
            pltpu.make_async_copy(hv_hbm, hv_v, psem).wait()

        plsc.subcore_barrier()
        for s in range(NB):
            g_copy(s, 0, s).start()
        lax.fori_loop(0, EPW // 16, build_rest, 0)

        def step(p, _):
            ca = (2 * p) * NB
            cb = ca + NB
            for s in range(NB):
                g_copy(ca + s, 0, s).wait()
            for s in range(NB):
                s_copy(ca + s, 0, s, ssem_a).start()

            @pl.when(p > 0)
            def _():
                for s in range(NB):
                    s_copy(cb - 2 * NB + s, 1, s, ssem_b).wait()

            for s in range(NB):
                g_copy(cb + s, 1, s).start()
            for s in range(NB):
                g_copy(cb + s, 1, s).wait()
            for s in range(NB):
                s_copy(cb + s, 1, s, ssem_b).start()
            for s in range(NB):
                s_copy(ca + s, 0, s, ssem_a).wait()

            @pl.when(p < NP - 1)
            def _():
                for s in range(NB):
                    g_copy(cb + NB + s, 0, s).start()

            return 0

        lax.fori_loop(0, NP, step, 0)
        for s in range(NB):
            s_copy(NCHUNK - NB + s, 1, s, ssem_b).wait()

    return k(hv_flat, v1, v2)


def kernel(hv, v1s_idx, v2s_idx):
    hv_flat = hv.reshape(B * N, D)
    v1 = v1s_idx.astype(jnp.int32)
    v2 = v2s_idx.astype(jnp.int32)
    out = _sc_gather(hv_flat, v1, v2)
    return out.reshape(B, N, N, 2 * D)

# --- scband reference (transcript-rebuilt; emitter-appended) ---
"""Pipeline reference for scband-node-to-edge-17446157156830 (READ-ONLY COPY).

The authoritative reference and input builder live on the scoring server;
editing this copy changes nothing except your own understanding.
"""

import jax, jax.numpy as jnp
import numpy as np


def setup_inputs(seed: int = 0) -> dict:
    key = jax.random.key(seed)
    k1, k2, k3 = jax.random.split(key, 3)
    B, N, D = 4, 256, 64
    hv = jax.random.normal(k1, (B, N, D), dtype=jnp.float32)
    v1s_idx = jax.random.randint(k2, (N * N,), 0, N, dtype=jnp.int64)
    v2s_idx = jax.random.randint(k3, (N * N,), 0, N, dtype=jnp.int64)
    return {"hv": hv, "v1s_idx": v1s_idx, "v2s_idx": v2s_idx}


def reference(hv, v1s_idx, v2s_idx):
    batch_size, num_vertices, _ = hv.shape
    # gather along the vertex axis (axis=1), matching torch's hv[:, idx]
    v1s = jnp.take(hv, v1s_idx, axis=1)
    v2s = jnp.take(hv, v2s_idx, axis=1)
    vertices_concat = jnp.concatenate([v1s, v2s], axis=-1).reshape(
        batch_size, num_vertices, num_vertices, -1
    )
    return vertices_concat

if __name__ == "__main__":
    import jax
    _d = setup_inputs()
    print(jax.jit(kernel)(*tuple(_d.values())))

</pallas_src>

<mosaic_0001>
#map = affine_map<(d0, d1) -> (0, 0)>
#map1 = affine_map<(d0, d1) -> (0)>
module attributes {stable_mosaic.version = 14 : i64} {
  func.func @k(%arg0: i32, %arg1: i32, %arg2: memref<1024x64xf32, #tpu.memory_space<hbm>>, %arg3: memref<65536xi32, #tpu.memory_space<hbm>>, %arg4: memref<65536xi32, #tpu.memory_space<hbm>>, %arg5: memref<524288x64xf32, #tpu.memory_space<hbm>>, %arg6: memref<2048xi32, #tpu.memory_space<vmem>>, %arg7: memref<2048xi32, #tpu.memory_space<vmem>>, %arg8: memref<16384xi32, #tpu.memory_space<vmem>>, %arg9: memref<1024x64xf32, #tpu.memory_space<vmem_shared>>, %arg10: memref<2x2x256x64xf32, #tpu.memory_space<vmem>>, %arg11: memref<!tpu.dma_semaphore, #tpu.memory_space<semaphore_mem>>, %arg12: memref<!tpu.dma_semaphore, #tpu.memory_space<semaphore_mem>>, %arg13: memref<!tpu.dma_semaphore, #tpu.memory_space<semaphore_mem>>, %arg14: memref<!tpu.dma_semaphore, #tpu.memory_space<semaphore_mem>>) attributes {dimension_semantics = [#tpu.dimension_semantics<core_parallel>, #tpu.dimension_semantics<subcore_parallel>], iteration_bounds = array<i64: 2, 16>, scalar_prefetch = 0 : i64, scratch_operands = 9 : i64, tpu.core_type = #tpu.core_type<sc_vector_subcore>, window_params = [{transform_indices = #map}, {transform_indices = #map1}, {transform_indices = #map1}, {transform_indices = #map}]} {
    %mul3A = arith.constant 2 : i32
    %mul3A_0 = arith.muli %arg1, %mul3A : i32
    %add3A = arith.addi %mul3A_0, %arg0 : i32
    %mul3A_1 = arith.constant 2048 : i32
    %mul3A_2 = arith.muli %add3A, %mul3A_1 : i32
    %eq3A = arith.constant 0 : i32
    %eq3A_3 = arith.cmpi eq, %arg1, %eq3A : i32
    %convert_element_type3A = arith.extui %eq3A_3 : i1 to i32
    %cond3A = arith.constant 0 : i32
    %cond3A_4 = arith.cmpi ne, %convert_element_type3A, %cond3A : i32
    scf.if %cond3A_4 {
      tpu.enqueue_dma source(%arg2 : memref<1024x64xf32, #tpu.memory_space<hbm>>) target(%arg9 : memref<1024x64xf32, #tpu.memory_space<vmem_shared>>) target_semaphore(%arg14 : memref<!tpu.dma_semaphore, #tpu.memory_space<semaphore_mem>>)
    } else {
    }
    %dma_start3A = tpu.memref_slice %arg3[%mul3A_2] : memref<65536xi32, #tpu.memory_space<hbm>> -> memref<2048xi32, #tpu.memory_space<hbm>>
    %dma_start3A_5 = tpu.memref_slice %arg3[%mul3A_2] : memref<65536xi32, #tpu.memory_space<hbm>> -> memref<2048xi32, #tpu.memory_space<hbm>>
    tpu.enqueue_dma source(%dma_start3A_5 : memref<2048xi32, #tpu.memory_space<hbm>>) target(%arg6 : memref<2048xi32, #tpu.memory_space<vmem>>) target_semaphore(%arg11 : memref<!tpu.dma_semaphore, #tpu.memory_space<semaphore_mem>>)
    %dma_start3A_6 = tpu.memref_slice %arg4[%mul3A_2] : memref<65536xi32, #tpu.memory_space<hbm>> -> memref<2048xi32, #tpu.memory_space<hbm>>
    %dma_start3A_7 = tpu.memref_slice %arg4[%mul3A_2] : memref<65536xi32, #tpu.memory_space<hbm>> -> memref<2048xi32, #tpu.memory_space<hbm>>
    tpu.enqueue_dma source(%dma_start3A_7 : memref<2048xi32, #tpu.memory_space<hbm>>) target(%arg7 : memref<2048xi32, #tpu.memory_space<vmem>>) target_semaphore(%arg11 : memref<!tpu.dma_semaphore, #tpu.memory_space<semaphore_mem>>)
    %dma_wait3A = tpu.memref_slice %arg3[%mul3A_2] : memref<65536xi32, #tpu.memory_space<hbm>> -> memref<2048xi32, #tpu.memory_space<hbm>>
    %dma_wait3A_8 = tpu.memref_slice %arg3[%mul3A_2] : memref<65536xi32, #tpu.memory_space<hbm>> -> memref<2048xi32, #tpu.memory_space<hbm>>
    tpu.wait_dma2 semaphore(%arg11 : memref<!tpu.dma_semaphore, #tpu.memory_space<semaphore_mem>>) src(%dma_wait3A_8 : memref<2048xi32, #tpu.memory_space<hbm>>) dst(%arg6 : memref<2048xi32, #tpu.memory_space<vmem>>)
    %dma_wait3A_9 = tpu.memref_slice %arg4[%mul3A_2] : memref<65536xi32, #tpu.memory_space<hbm>> -> memref<2048xi32, #tpu.memory_space<hbm>>
    %dma_wait3A_10 = tpu.memref_slice %arg4[%mul3A_2] : memref<65536xi32, #tpu.memory_space<hbm>> -> memref<2048xi32, #tpu.memory_space<hbm>>
    tpu.wait_dma2 semaphore(%arg11 : memref<!tpu.dma_semaphore, #tpu.memory_space<semaphore_mem>>) src(%dma_wait3A_10 : memref<2048xi32, #tpu.memory_space<hbm>>) dst(%arg7 : memref<2048xi32, #tpu.memory_space<vmem>>)
    %iota3A = tpu.iota {dimensions = array<i32: 0>} : vector<16xi32>
    %scan3A = arith.constant 0 : i32
    %scan3A_11 = arith.constant 0 : i32
    %scan3A_12 = arith.constant 128 : i32
    %scan3A_13 = arith.addi %scan3A_11, %scan3A_12 : i32
    %scan3A_14 = arith.constant 1 : i32
    %scan3A_15 = scf.for %scan3A_96 = %scan3A_11 to %scan3A_13 step %scan3A_14 iter_args(%scan3A_97 = %scan3A) -> (i32)  : i32 {
      %mul3A_98 = arith.constant 16 : i32
      %mul3A_99 = arith.muli %scan3A_96, %mul3A_98 : i32
      %get3A = arith.index_cast %mul3A_99 : i32 to index
      %get3A_100 = tpu.vector_load %arg6[%get3A] {strides = array<i32>} : memref<2048xi32, #tpu.memory_space<vmem>>, vector<16xi32>,
      %mul3A_101 = arith.constant 16 : i32
      %mul3A_102 = arith.muli %scan3A_96, %mul3A_101 : i32
      %get3A_103 = arith.index_cast %mul3A_102 : i32 to index
      %get3A_104 = tpu.vector_load %arg7[%get3A_103] {strides = array<i32>} : memref<2048xi32, #tpu.memory_space<vmem>>, vector<16xi32>,
      %mul3A_105 = arith.constant 32 : i32
      %mul3A_106 = arith.muli %scan3A_96, %mul3A_105 : i32
      %mul3A_107 = arith.constant 2 : i32
      %mul3A_108 = vector.broadcast %mul3A_107 : i32 to vector<16xi32>
      %mul3A_109 = arith.muli %mul3A_108, %iota3A : vector<16xi32>
      %add3A_110 = vector.broadcast %mul3A_106 : i32 to vector<16xi32>
      %add3A_111 = arith.addi %add3A_110, %mul3A_109 : vector<16xi32>
      tpu.vector_store_idx %arg8[%add3A_111], %get3A_100 : memref<16384xi32, #tpu.memory_space<vmem>>[vector<16xi32>], vector<16xi32>,
      %add3A_112 = arith.constant 1 : i32
      %add3A_113 = vector.broadcast %add3A_112 : i32 to vector<16xi32>
      %add3A_114 = arith.addi %add3A_111, %add3A_113 : vector<16xi32>
      tpu.vector_store_idx %arg8[%add3A_114], %get3A_104 : memref<16384xi32, #tpu.memory_space<vmem>>[vector<16xi32>], vector<16xi32>,
      %scan3A_115 = arith.constant 0 : i32
      scf.yield %scan3A_115 : i32
    }
    %scan3A_16 = arith.constant 128 : i32
    %convert_element_type3A_17 = arith.extui %eq3A_3 : i1 to i32
    %cond3A_18 = arith.constant 0 : i32
    %cond3A_19 = arith.cmpi ne, %convert_element_type3A_17, %cond3A_18 : i32
    scf.if %cond3A_19 {
      tpu.wait_dma2 semaphore(%arg14 : memref<!tpu.dma_semaphore, #tpu.memory_space<semaphore_mem>>) src(%arg2 : memref<1024x64xf32, #tpu.memory_space<hbm>>) dst(%arg9 : memref<1024x64xf32, #tpu.memory_space<vmem_shared>>)
    } else {
    }
    %barrier3A = arith.constant 0 : index
    tpu.barrier barrier_id(%barrier3A)
    %dma_start3A_20 = arith.constant 0 : i32
    %dma_start3A_21 = arith.constant 0 : i32
    %dma_start3A_22 = arith.constant 0 : i32
    %dma_start3A_23 = arith.constant 0 : i32
    %dma_start3A_24 = tpu.memref_slice %arg10[%dma_start3A_20, %dma_start3A_21, %dma_start3A_22, %dma_start3A_23] : memref<2x2x256x64xf32, #tpu.memory_space<vmem>> -> memref<1x1x256x64xf32, #tpu.memory_space<vmem>>
    %dma_start3A_25 = tpu.memref_squeeze %dma_start3A_24 : memref<1x1x256x64xf32, #tpu.memory_space<vmem>> -> memref<256x64xf32, #tpu.memory_space<vmem>>
    %dma_start3A_26 = arith.constant 0 : i32
    %dma_start3A_27 = tpu.memref_slice %arg8[%dma_start3A_26] : memref<16384xi32, #tpu.memory_space<vmem>> -> memref<256xi32, #tpu.memory_space<vmem>>
    %dma_start3A_28 = arith.constant 0 : i32
    %dma_start3A_29 = arith.constant 0 : i32
    %dma_start3A_30 = tpu.memref_slice %arg9[%dma_start3A_28, %dma_start3A_29] : memref<1024x64xf32, #tpu.memory_space<vmem_shared>> -> memref<1024x64xf32, #tpu.memory_space<vmem_shared>>
    tpu.enqueue_indirect_dma source(%dma_start3A_30 : memref<1024x64xf32, #tpu.memory_space<vmem_shared>>) target(%dma_start3A_25 : memref<256x64xf32, #tpu.memory_space<vmem>>) offsets(%dma_start3A_27 : memref<256xi32, #tpu.memory_space<vmem>>) semaphore(%arg11 : memref<!tpu.dma_semaphore, #tpu.memory_space<semaphore_mem>>)
    %dma_start3A_31 = arith.constant 0 : i32
    %dma_start3A_32 = arith.constant 1 : i32
    %dma_start3A_33 = arith.constant 0 : i32
    %dma_start3A_34 = arith.constant 0 : i32
    %dma_start3A_35 = tpu.memref_slice %arg10[%dma_start3A_31, %dma_start3A_32, %dma_start3A_33, %dma_start3A_34] : memref<2x2x256x64xf32, #tpu.memory_space<vmem>> -> memref<1x1x256x64xf32, #tpu.memory_space<vmem>>
    %dma_start3A_36 = tpu.memref_squeeze %dma_start3A_35 : memref<1x1x256x64xf32, #tpu.memory_space<vmem>> -> memref<256x64xf32, #tpu.memory_space<vmem>>
    %dma_start3A_37 = arith.constant 256 : i32
    %dma_start3A_38 = tpu.memref_slice %arg8[%dma_start3A_37] : memref<16384xi32, #tpu.memory_space<vmem>> -> memref<256xi32, #tpu.memory_space<vmem>>
    %dma_start3A_39 = arith.constant 0 : i32
    %dma_start3A_40 = arith.constant 0 : i32
    %dma_start3A_41 = tpu.memref_slice %arg9[%dma_start3A_39, %dma_start3A_40] : memref<1024x64xf32, #tpu.memory_space<vmem_shared>> -> memref<1024x64xf32, #tpu.memory_space<vmem_shared>>
    tpu.enqueue_indirect_dma source(%dma_start3A_41 : memref<1024x64xf32, #tpu.memory_space<vmem_shared>>) target(%dma_start3A_36 : memref<256x64xf32, #tpu.memory_space<vmem>>) offsets(%dma_start3A_38 : memref<256xi32, #tpu.memory_space<vmem>>) semaphore(%arg11 : memref<!tpu.dma_semaphore, #tpu.memory_space<semaphore_mem>>)
    %scan3A_42 = arith.constant 0 : i32
    %scan3A_43 = arith.constant 0 : i32
    %scan3A_44 = arith.constant 128 : i32
    %scan3A_45 = arith.addi %scan3A_43, %scan3A_44 : i32
    %scan3A_46 = arith.constant 1 : i32
    %scan3A_47 = scf.for %scan3A_96 = %scan3A_43 to %scan3A_45 step %scan3A_46 iter_args(%scan3A_97 = %scan3A_42) -> (i32)  : i32 {
      %mul3A_98 = arith.constant 16 : i32
      %mul3A_99 = arith.muli %scan3A_96, %mul3A_98 : i32
      %get3A = arith.index_cast %mul3A_99 : i32 to index
      %get3A_100 = tpu.vector_load %arg6[%get3A] {strides = array<i32>} : memref<2048xi32, #tpu.memory_space<vmem>>, vector<16xi32>,
      %mul3A_101 = arith.constant 16 : i32
      %mul3A_102 = arith.muli %scan3A_96, %mul3A_101 : i32
      %get3A_103 = arith.index_cast %mul3A_102 : i32 to index
      %get3A_104 = tpu.vector_load %arg7[%get3A_103] {strides = array<i32>} : memref<2048xi32, #tpu.memory_space<vmem>>, vector<16xi32>,
      %mul3A_105 = arith.constant 32 : i32
      %mul3A_106 = arith.muli %scan3A_96, %mul3A_105 : i32
      %mul3A_107 = arith.constant 2 : i32
      %mul3A_108 = vector.broadcast %mul3A_107 : i32 to vector<16xi32>
      %mul3A_109 = arith.muli %mul3A_108, %iota3A : vector<16xi32>
      %add3A_110 = vector.broadcast %mul3A_106 : i32 to vector<16xi32>
      %add3A_111 = arith.addi %add3A_110, %mul3A_109 : vector<16xi32>
      %add3A_112 = arith.constant 4096 : i32
      %add3A_113 = vector.broadcast %add3A_112 : i32 to vector<16xi32>
      %add3A_114 = arith.addi %add3A_111, %add3A_113 : vector<16xi32>
      %add3A_115 = arith.constant 256 : i32
      %add3A_116 = vector.broadcast %add3A_115 : i32 to vector<16xi32>
      %add3A_117 = arith.addi %get3A_100, %add3A_116 : vector<16xi32>
      tpu.vector_store_idx %arg8[%add3A_114], %add3A_117 : memref<16384xi32, #tpu.memory_space<vmem>>[vector<16xi32>], vector<16xi32>,
      %add3A_118 = arith.constant 4096 : i32
      %add3A_119 = vector.broadcast %add3A_118 : i32 to vector<16xi32>
      %add3A_120 = arith.addi %add3A_111, %add3A_119 : vector<16xi32>
      %add3A_121 = arith.constant 1 : i32
      %add3A_122 = vector.broadcast %add3A_121 : i32 to vector<16xi32>
      %add3A_123 = arith.addi %add3A_120, %add3A_122 : vector<16xi32>
      %add3A_124 = arith.constant 256 : i32
      %add3A_125 = vector.broadcast %add3A_124 : i32 to vector<16xi32>
      %add3A_126 = arith.addi %get3A_104, %add3A_125 : vector<16xi32>
      tpu.vector_store_idx %arg8[%add3A_123], %add3A_126 : memref<16384xi32, #tpu.memory_space<vmem>>[vector<16xi32>], vector<16xi32>,
      %add3A_127 = arith.constant 8192 : i32
      %add3A_128 = vector.broadcast %add3A_127 : i32 to vector<16xi32>
      %add3A_129 = arith.addi %add3A_111, %add3A_128 : vector<16xi32>
      %add3A_130 = arith.constant 512 : i32
      %add3A_131 = vector.broadcast %add3A_130 : i32 to vector<16xi32>
      %add3A_132 = arith.addi %get3A_100, %add3A_131 : vector<16xi32>
      tpu.vector_store_idx %arg8[%add3A_129], %add3A_132 : memref<16384xi32, #tpu.memory_space<vmem>>[vector<16xi32>], vector<16xi32>,
      %add3A_133 = arith.constant 8192 : i32
      %add3A_134 = vector.broadcast %add3A_133 : i32 to vector<16xi32>
      %add3A_135 = arith.addi %add3A_111, %add3A_134 : vector<16xi32>
      %add3A_136 = arith.constant 1 : i32
      %add3A_137 = vector.broadcast %add3A_136 : i32 to vector<16xi32>
      %add3A_138 = arith.addi %add3A_135, %add3A_137 : vector<16xi32>
      %add3A_139 = arith.constant 512 : i32
      %add3A_140 = vector.broadcast %add3A_139 : i32 to vector<16xi32>
      %add3A_141 = arith.addi %get3A_104, %add3A_140 : vector<16xi32>
      tpu.vector_store_idx %arg8[%add3A_138], %add3A_141 : memref<16384xi32, #tpu.memory_space<vmem>>[vector<16xi32>], vector<16xi32>,
      %add3A_142 = arith.constant 12288 : i32
      %add3A_143 = vector.broadcast %add3A_142 : i32 to vector<16xi32>
      %add3A_144 = arith.addi %add3A_111, %add3A_143 : vector<16xi32>
      %add3A_145 = arith.constant 768 : i32
      %add3A_146 = vector.broadcast %add3A_145 : i32 to vector<16xi32>
      %add3A_147 = arith.addi %get3A_100, %add3A_146 : vector<16xi32>
      tpu.vector_store_idx %arg8[%add3A_144], %add3A_147 : memref<16384xi32, #tpu.memory_space<vmem>>[vector<16xi32>], vector<16xi32>,
      %add3A_148 = arith.constant 12288 : i32
      %add3A_149 = vector.broadcast %add3A_148 : i32 to vector<16xi32>
      %add3A_150 = arith.addi %add3A_111, %add3A_149 : vector<16xi32>
      %add3A_151 = arith.constant 1 : i32
      %add3A_152 = vector.broadcast %add3A_151 : i32 to vector<16xi32>
      %add3A_153 = arith.addi %add3A_150, %add3A_152 : vector<16xi32>
      %add3A_154 = arith.constant 768 : i32
      %add3A_155 = vector.broadcast %add3A_154 : i32 to vector<16xi32>
      %add3A_156 = arith.addi %get3A_104, %add3A_155 : vector<16xi32>
      tpu.vector_store_idx %arg8[%add3A_153], %add3A_156 : memref<16384xi32, #tpu.memory_space<vmem>>[vector<16xi32>], vector<16xi32>,
      %scan3A_157 = arith.constant 0 : i32
      scf.yield %scan3A_157 : i32
    }
    %scan3A_48 = arith.constant 128 : i32
    %scan3A_49 = arith.constant 0 : i32
    %scan3A_50 = arith.constant 0 : i32
    %scan3A_51 = arith.constant 16 : i32
    %scan3A_52 = arith.addi %scan3A_50, %scan3A_51 : i32
    %scan3A_53 = arith.constant 1 : i32
    %scan3A_54 = scf.for %scan3A_96 = %scan3A_50 to %scan3A_52 step %scan3A_53 iter_args(%scan3A_97 = %scan3A_49) -> (i32)  : i32 {
      %mul3A_98 = arith.constant 2 : i32
      %mul3A_99 = arith.muli %mul3A_98, %scan3A_96 : i32
      %mul3A_100 = arith.constant 2 : i32
      %mul3A_101 = arith.muli %mul3A_99, %mul3A_100 : i32
      %add3A_102 = arith.constant 2 : i32
      %add3A_103 = arith.addi %mul3A_101, %add3A_102 : i32
      %add3A_104 = arith.constant 0 : i32
      %add3A_105 = arith.addi %mul3A_101, %add3A_104 : i32
      %mul3A_106 = arith.constant 256 : i32
      %mul3A_107 = arith.muli %add3A_105, %mul3A_106 : i32
      %dma_wait3A_108 = arith.constant 0 : i32
      %dma_wait3A_109 = arith.constant 0 : i32
      %dma_wait3A_110 = arith.constant 0 : i32
      %dma_wait3A_111 = arith.constant 0 : i32
      %dma_wait3A_112 = tpu.memref_slice %arg10[%dma_wait3A_108, %dma_wait3A_109, %dma_wait3A_110, %dma_wait3A_111] : memref<2x2x256x64xf32, #tpu.memory_space<vmem>> -> memref<1x1x256x64xf32, #tpu.memory_space<vmem>>
      %dma_wait3A_113 = tpu.memref_squeeze %dma_wait3A_112 : memref<1x1x256x64xf32, #tpu.memory_space<vmem>> -> memref<256x64xf32, #tpu.memory_space<vmem>>
      %dma_wait3A_114 = tpu.memref_slice %arg8[%mul3A_107] : memref<16384xi32, #tpu.memory_space<vmem>> -> memref<256xi32, #tpu.memory_space<vmem>>
      %dma_wait3A_115 = arith.constant 0 : i32
      %dma_wait3A_116 = arith.constant 0 : i32
      %dma_wait3A_117 = tpu.memref_slice %arg9[%dma_wait3A_115, %dma_wait3A_116] : memref<1024x64xf32, #tpu.memory_space<vmem_shared>> -> memref<1024x64xf32, #tpu.memory_space<vmem_shared>>
      tpu.wait_indirect_dma semaphore(%arg11 : memref<!tpu.dma_semaphore, #tpu.memory_space<semaphore_mem>>) src(%dma_wait3A_117 : memref<1024x64xf32, #tpu.memory_space<vmem_shared>>) dst(%dma_wait3A_113 : memref<256x64xf32, #tpu.memory_space<vmem>>)
      %add3A_118 = arith.constant 1 : i32
      %add3A_119 = arith.addi %mul3A_101, %add3A_118 : i32
      %mul3A_120 = arith.constant 256 : i32
      %mul3A_121 = arith.muli %add3A_119, %mul3A_120 : i32
      %dma_wait3A_122 = arith.constant 0 : i32
      %dma_wait3A_123 = arith.constant 1 : i32
      %dma_wait3A_124 = arith.constant 0 : i32
      %dma_wait3A_125 = arith.constant 0 : i32
      %dma_wait3A_126 = tpu.memref_slice %arg10[%dma_wait3A_122, %dma_wait3A_123, %dma_wait3A_124, %dma_wait3A_125] : memref<2x2x256x64xf32, #tpu.memory_space<vmem>> -> memref<1x1x256x64xf32, #tpu.memory_space<vmem>>
      %dma_wait3A_127 = tpu.memref_squeeze %dma_wait3A_126 : memref<1x1x256x64xf32, #tpu.memory_space<vmem>> -> memref<256x64xf32, #tpu.memory_space<vmem>>
      %dma_wait3A_128 = tpu.memref_slice %arg8[%mul3A_121] : memref<16384xi32, #tpu.memory_space<vmem>> -> memref<256xi32, #tpu.memory_space<vmem>>
      %dma_wait3A_129 = arith.constant 0 : i32
      %dma_wait3A_130 = arith.constant 0 : i32
      %dma_wait3A_131 = tpu.memref_slice %arg9[%dma_wait3A_129, %dma_wait3A_130] : memref<1024x64xf32, #tpu.memory_space<vmem_shared>> -> memref<1024x64xf32, #tpu.memory_space<vmem_shared>>
      tpu.wait_indirect_dma semaphore(%arg11 : memref<!tpu.dma_semaphore, #tpu.memory_space<semaphore_mem>>) src(%dma_wait3A_131 : memref<1024x64xf32, #tpu.memory_space<vmem_shared>>) dst(%dma_wait3A_127 : memref<256x64xf32, #tpu.memory_space<vmem>>)
      %add3A_132 = arith.constant 0 : i32
      %add3A_133 = arith.addi %mul3A_101, %add3A_132 : i32
      %jit3A = arith.constant 16 : i32
      %div3A = arith.divsi %add3A_133, %jit3A : i32
      %sign3A = arith.constant 0 : i32
      %sign3A_134 = arith.cmpi sgt, %add3A_133, %sign3A : i32
      %sign3A_135 = arith.extui %sign3A_134 : i1 to i32
      %sign3A_136 = arith.constant 0 : i32
      %sign3A_137 = arith.cmpi slt, %add3A_133, %sign3A_136 : i32
      %sign3A_138 = arith.extui %sign3A_137 : i1 to i32
      %sign3A_139 = arith.subi %sign3A_135, %sign3A_138 : i32
      %sign3A_140 = arith.constant 0 : i32
      %sign3A_141 = arith.cmpi sgt, %jit3A, %sign3A_140 : i32
      %sign3A_142 = arith.extui %sign3A_141 : i1 to i32
      %sign3A_143 = arith.constant 0 : i32
      %sign3A_144 = arith.cmpi slt, %jit3A, %sign3A_143 : i32
      %sign3A_145 = arith.extui %sign3A_144 : i1 to i32
      %sign3A_146 = arith.subi %sign3A_142, %sign3A_145 : i32
      %ne3A = arith.cmpi ne, %sign3A_139, %sign3A_146 : i32
      %rem3A = arith.remsi %add3A_133, %jit3A : i32
      %ne3A_147 = arith.constant 0 : i32
      %ne3A_148 = arith.cmpi ne, %rem3A, %ne3A_147 : i32
      %and3A = arith.andi %ne3A, %ne3A_148 : i1
      %sub3A = arith.constant 1 : i32
      %sub3A_149 = arith.subi %div3A, %sub3A : i32
      %select_n3A = arith.select %and3A, %sub3A_149, %div3A : i32
      %mul3A_150 = arith.constant 16 : i32
      %mul3A_151 = arith.muli %select_n3A, %mul3A_150 : i32
      %sub3A_152 = arith.subi %add3A_133, %mul3A_151 : i32
      %mul3A_153 = arith.constant 131072 : i32
      %mul3A_154 = arith.muli %select_n3A, %mul3A_153 : i32
      %mul3A_155 = arith.constant 4096 : i32
      %mul3A_156 = arith.muli %add3A, %mul3A_155 : i32
      %add3A_157 = arith.addi %mul3A_154, %mul3A_156 : i32
      %mul3A_158 = arith.constant 256 : i32
      %mul3A_159 = arith.muli %sub3A_152, %mul3A_158 : i32
      %add3A_160 = arith.addi %add3A_157, %mul3A_159 : i32
      %dma_start3A_161 = arith.constant 0 : i32
      %dma_start3A_162 = arith.constant 0 : i32
      %dma_start3A_163 = arith.constant 0 : i32
      %dma_start3A_164 = arith.constant 0 : i32
      %dma_start3A_165 = tpu.memref_slice %arg10[%dma_start3A_161, %dma_start3A_162, %dma_start3A_163, %dma_start3A_164] : memref<2x2x256x64xf32, #tpu.memory_space<vmem>> -> memref<1x1x256x64xf32, #tpu.memory_space<vmem>>
      %dma_start3A_166 = tpu.memref_squeeze %dma_start3A_165 : memref<1x1x256x64xf32, #tpu.memory_space<vmem>> -> memref<256x64xf32, #tpu.memory_space<vmem>>
      %dma_start3A_167 = arith.constant 0 : i32
      %dma_start3A_168 = tpu.memref_slice %arg5[%add3A_160, %dma_start3A_167] : memref<524288x64xf32, #tpu.memory_space<hbm>> -> memref<256x64xf32, #tpu.memory_space<hbm>>
      %dma_start3A_169 = arith.constant 0 : i32
      %dma_start3A_170 = tpu.memref_slice %arg5[%add3A_160, %dma_start3A_169] : memref<524288x64xf32, #tpu.memory_space<hbm>> -> memref<256x64xf32, #tpu.memory_space<hbm>>
      %dma_start3A_171 = arith.constant 0 : i32
      %dma_start3A_172 = arith.constant 0 : i32
      %dma_start3A_173 = tpu.memref_slice %arg10[%dma_start3A_161, %dma_start3A_162, %dma_start3A_171, %dma_start3A_172] : memref<2x2x256x64xf32, #tpu.memory_space<vmem>> -> memref<1x1x256x64xf32, #tpu.memory_space<vmem>>
      %dma_start3A_174 = tpu.memref_squeeze %dma_start3A_173 : memref<1x1x256x64xf32, #tpu.memory_space<vmem>> -> memref<256x64xf32, #tpu.memory_space<vmem>>
      tpu.enqueue_dma source(%dma_start3A_174 : memref<256x64xf32, #tpu.memory_space<vmem>>) target(%dma_start3A_170 : memref<256x64xf32, #tpu.memory_space<hbm>>) target_semaphore(%arg12 : memref<!tpu.dma_semaphore, #tpu.memory_space<semaphore_mem>>)
      %add3A_175 = arith.constant 1 : i32
      %add3A_176 = arith.addi %mul3A_101, %add3A_175 : i32
      %jit3A_177 = arith.constant 16 : i32
      %div3A_178 = arith.divsi %add3A_176, %jit3A_177 : i32
      %sign3A_179 = arith.constant 0 : i32
      %sign3A_180 = arith.cmpi sgt, %add3A_176, %sign3A_179 : i32
      %sign3A_181 = arith.extui %sign3A_180 : i1 to i32
      %sign3A_182 = arith.constant 0 : i32
      %sign3A_183 = arith.cmpi slt, %add3A_176, %sign3A_182 : i32
      %sign3A_184 = arith.extui %sign3A_183 : i1 to i32
      %sign3A_185 = arith.subi %sign3A_181, %sign3A_184 : i32
      %sign3A_186 = arith.constant 0 : i32
      %sign3A_187 = arith.cmpi sgt, %jit3A_177, %sign3A_186 : i32
      %sign3A_188 = arith.extui %sign3A_187 : i1 to i32
      %sign3A_189 = arith.constant 0 : i32
      %sign3A_190 = arith.cmpi slt, %jit3A_177, %sign3A_189 : i32
      %sign3A_191 = arith.extui %sign3A_190 : i1 to i32
      %sign3A_192 = arith.subi %sign3A_188, %sign3A_191 : i32
      %ne3A_193 = arith.cmpi ne, %sign3A_185, %sign3A_192 : i32
      %rem3A_194 = arith.remsi %add3A_176, %jit3A_177 : i32
      %ne3A_195 = arith.constant 0 : i32
      %ne3A_196 = arith.cmpi ne, %rem3A_194, %ne3A_195 : i32
      %and3A_197 = arith.andi %ne3A_193, %ne3A_196 : i1
      %sub3A_198 = arith.constant 1 : i32
      %sub3A_199 = arith.subi %div3A_178, %sub3A_198 : i32
      %select_n3A_200 = arith.select %and3A_197, %sub3A_199, %div3A_178 : i32
      %mul3A_201 = arith.constant 16 : i32
      %mul3A_202 = arith.muli %select_n3A_200, %mul3A_201 : i32
      %sub3A_203 = arith.subi %add3A_176, %mul3A_202 : i32
      %mul3A_204 = arith.constant 131072 : i32
      %mul3A_205 = arith.muli %select_n3A_200, %mul3A_204 : i32
      %mul3A_206 = arith.constant 4096 : i32
      %mul3A_207 = arith.muli %add3A, %mul3A_206 : i32
      %add3A_208 = arith.addi %mul3A_205, %mul3A_207 : i32
      %mul3A_209 = arith.constant 256 : i32
      %mul3A_210 = arith.muli %sub3A_203, %mul3A_209 : i32
      %add3A_211 = arith.addi %add3A_208, %mul3A_210 : i32
      %dma_start3A_212 = arith.constant 0 : i32
      %dma_start3A_213 = arith.constant 1 : i32
      %dma_start3A_214 = arith.constant 0 : i32
      %dma_start3A_215 = arith.constant 0 : i32
      %dma_start3A_216 = tpu.memref_slice %arg10[%dma_start3A_212, %dma_start3A_213, %dma_start3A_214, %dma_start3A_215] : memref<2x2x256x64xf32, #tpu.memory_space<vmem>> -> memref<1x1x256x64xf32, #tpu.memory_space<vmem>>
      %dma_start3A_217 = tpu.memref_squeeze %dma_start3A_216 : memref<1x1x256x64xf32, #tpu.memory_space<vmem>> -> memref<256x64xf32, #tpu.memory_space<vmem>>
      %dma_start3A_218 = arith.constant 0 : i32
      %dma_start3A_219 = tpu.memref_slice %arg5[%add3A_211, %dma_start3A_218] : memref<524288x64xf32, #tpu.memory_space<hbm>> -> memref<256x64xf32, #tpu.memory_space<hbm>>
      %dma_start3A_220 = arith.constant 0 : i32
      %dma_start3A_221 = tpu.memref_slice %arg5[%add3A_211, %dma_start3A_220] : memref<524288x64xf32, #tpu.memory_space<hbm>> -> memref<256x64xf32, #tpu.memory_space<hbm>>
      %dma_start3A_222 = arith.constant 0 : i32
      %dma_start3A_223 = arith.constant 0 : i32
      %dma_start3A_224 = tpu.memref_slice %arg10[%dma_start3A_212, %dma_start3A_213, %dma_start3A_222, %dma_start3A_223] : memref<2x2x256x64xf32, #tpu.memory_space<vmem>> -> memref<1x1x256x64xf32, #tpu.memory_space<vmem>>
      %dma_start3A_225 = tpu.memref_squeeze %dma_start3A_224 : memref<1x1x256x64xf32, #tpu.memory_space<vmem>> -> memref<256x64xf32, #tpu.memory_space<vmem>>
      tpu.enqueue_dma source(%dma_start3A_225 : memref<256x64xf32, #tpu.memory_space<vmem>>) target(%dma_start3A_221 : memref<256x64xf32, #tpu.memory_space<hbm>>) target_semaphore(%arg12 : memref<!tpu.dma_semaphore, #tpu.memory_space<semaphore_mem>>)
      %gt3A = arith.constant 0 : i32
      %gt3A_226 = arith.cmpi sgt, %scan3A_96, %gt3A : i32
      %convert_element_type3A_227 = arith.extui %gt3A_226 : i1 to i32
      %cond3A_228 = arith.constant 0 : i32
      %cond3A_229 = arith.cmpi ne, %convert_element_type3A_227, %cond3A_228 : i32
      scf.if %cond3A_229 {
        %sub3A_495 = arith.constant 4 : i32
        %sub3A_496 = arith.subi %add3A_103, %sub3A_495 : i32
        %add3A_497 = arith.constant 0 : i32
        %add3A_498 = arith.addi %sub3A_496, %add3A_497 : i32
        %jit3A_499 = arith.constant 16 : i32
        %div3A_500 = arith.divsi %add3A_498, %jit3A_499 : i32
        %sign3A_501 = arith.constant 0 : i32
        %sign3A_502 = arith.cmpi sgt, %add3A_498, %sign3A_501 : i32
        %sign3A_503 = arith.extui %sign3A_502 : i1 to i32
        %sign3A_504 = arith.constant 0 : i32
        %sign3A_505 = arith.cmpi slt, %add3A_498, %sign3A_504 : i32
        %sign3A_506 = arith.extui %sign3A_505 : i1 to i32
        %sign3A_507 = arith.subi %sign3A_503, %sign3A_506 : i32
        %sign3A_508 = arith.constant 0 : i32
        %sign3A_509 = arith.cmpi sgt, %jit3A_499, %sign3A_508 : i32
        %sign3A_510 = arith.extui %sign3A_509 : i1 to i32
        %sign3A_511 = arith.constant 0 : i32
        %sign3A_512 = arith.cmpi slt, %jit3A_499, %sign3A_511 : i32
        %sign3A_513 = arith.extui %sign3A_512 : i1 to i32
        %sign3A_514 = arith.subi %sign3A_510, %sign3A_513 : i32
        %ne3A_515 = arith.cmpi ne, %sign3A_507, %sign3A_514 : i32
        %rem3A_516 = arith.remsi %add3A_498, %jit3A_499 : i32
        %ne3A_517 = arith.constant 0 : i32
        %ne3A_518 = arith.cmpi ne, %rem3A_516, %ne3A_517 : i32
        %and3A_519 = arith.andi %ne3A_515, %ne3A_518 : i1
        %sub3A_520 = arith.constant 1 : i32
        %sub3A_521 = arith.subi %div3A_500, %sub3A_520 : i32
        %select_n3A_522 = arith.select %and3A_519, %sub3A_521, %div3A_500 : i32
        %mul3A_523 = arith.constant 16 : i32
        %mul3A_524 = arith.muli %select_n3A_522, %mul3A_523 : i32
        %sub3A_525 = arith.subi %add3A_498, %mul3A_524 : i32
        %mul3A_526 = arith.constant 131072 : i32
        %mul3A_527 = arith.muli %select_n3A_522, %mul3A_526 : i32
        %mul3A_528 = arith.constant 4096 : i32
        %mul3A_529 = arith.muli %add3A, %mul3A_528 : i32
        %add3A_530 = arith.addi %mul3A_527, %mul3A_529 : i32
        %mul3A_531 = arith.constant 256 : i32
        %mul3A_532 = arith.muli %sub3A_525, %mul3A_531 : i32
        %add3A_533 = arith.addi %add3A_530, %mul3A_532 : i32
        %dma_wait3A_534 = arith.constant 1 : i32
        %dma_wait3A_535 = arith.constant 0 : i32
        %dma_wait3A_536 = arith.constant 0 : i32
        %dma_wait3A_537 = arith.constant 0 : i32
        %dma_wait3A_538 = tpu.memref_slice %arg10[%dma_wait3A_534, %dma_wait3A_535, %dma_wait3A_536, %dma_wait3A_537] : memref<2x2x256x64xf32, #tpu.memory_space<vmem>> -> memref<1x1x256x64xf32, #tpu.memory_space<vmem>>
        %dma_wait3A_539 = tpu.memref_squeeze %dma_wait3A_538 : memref<1x1x256x64xf32, #tpu.memory_space<vmem>> -> memref<256x64xf32, #tpu.memory_space<vmem>>
        %dma_wait3A_540 = arith.constant 0 : i32
        %dma_wait3A_541 = tpu.memref_slice %arg5[%add3A_533, %dma_wait3A_540] : memref<524288x64xf32, #tpu.memory_space<hbm>> -> memref<256x64xf32, #tpu.memory_space<hbm>>
        %dma_wait3A_542 = arith.constant 0 : i32
        %dma_wait3A_543 = tpu.memref_slice %arg5[%add3A_533, %dma_wait3A_542] : memref<524288x64xf32, #tpu.memory_space<hbm>> -> memref<256x64xf32, #tpu.memory_space<hbm>>
        %dma_wait3A_544 = arith.constant 0 : i32
        %dma_wait3A_545 = arith.constant 0 : i32
        %dma_wait3A_546 = tpu.memref_slice %arg10[%dma_wait3A_534, %dma_wait3A_535, %dma_wait3A_544, %dma_wait3A_545] : memref<2x2x256x64xf32, #tpu.memory_space<vmem>> -> memref<1x1x256x64xf32, #tpu.memory_space<vmem>>
        %dma_wait3A_547 = tpu.memref_squeeze %dma_wait3A_546 : memref<1x1x256x64xf32, #tpu.memory_space<vmem>> -> memref<256x64xf32, #tpu.memory_space<vmem>>
        tpu.wait_dma2 semaphore(%arg13 : memref<!tpu.dma_semaphore, #tpu.memory_space<semaphore_mem>>) src(%dma_wait3A_547 : memref<256x64xf32, #tpu.memory_space<vmem>>) dst(%dma_wait3A_543 : memref<256x64xf32, #tpu.memory_space<hbm>>)
        %sub3A_548 = arith.constant 4 : i32
        %sub3A_549 = arith.subi %add3A_103, %sub3A_548 : i32
        %add3A_550 = arith.constant 1 : i32
        %add3A_551 = arith.addi %sub3A_549, %add3A_550 : i32
        %jit3A_552 = arith.constant 16 : i32
        %div3A_553 = arith.divsi %add3A_551, %jit3A_552 : i32
        %sign3A_554 = arith.constant 0 : i32
        %sign3A_555 = arith.cmpi sgt, %add3A_551, %sign3A_554 : i32
        %sign3A_556 = arith.extui %sign3A_555 : i1 to i32
        %sign3A_557 = arith.constant 0 : i32
        %sign3A_558 = arith.cmpi slt, %add3A_551, %sign3A_557 : i32
        %sign3A_559 = arith.extui %sign3A_558 : i1 to i32
        %sign3A_560 = arith.subi %sign3A_556, %sign3A_559 : i32
        %sign3A_561 = arith.constant 0 : i32
        %sign3A_562 = arith.cmpi sgt, %jit3A_552, %sign3A_561 : i32
        %sign3A_563 = arith.extui %sign3A_562 : i1 to i32
        %sign3A_564 = arith.constant 0 : i32
        %sign3A_565 = arith.cmpi slt, %jit3A_552, %sign3A_564 : i32
        %sign3A_566 = arith.extui %sign3A_565 : i1 to i32
        %sign3A_567 = arith.subi %sign3A_563, %sign3A_566 : i32
        %ne3A_568 = arith.cmpi ne, %sign3A_560, %sign3A_567 : i32
        %rem3A_569 = arith.remsi %add3A_551, %jit3A_552 : i32
        %ne3A_570 = arith.constant 0 : i32
        %ne3A_571 = arith.cmpi ne, %rem3A_569, %ne3A_570 : i32
        %and3A_572 = arith.andi %ne3A_568, %ne3A_571 : i1
        %sub3A_573 = arith.constant 1 : i32
        %sub3A_574 = arith.subi %div3A_553, %sub3A_573 : i32
        %select_n3A_575 = arith.select %and3A_572, %sub3A_574, %div3A_553 : i32
        %mul3A_576 = arith.constant 16 : i32
        %mul3A_577 = arith.muli %select_n3A_575, %mul3A_576 : i32
        %sub3A_578 = arith.subi %add3A_551, %mul3A_577 : i32
        %mul3A_579 = arith.constant 131072 : i32
        %mul3A_580 = arith.muli %select_n3A_575, %mul3A_579 : i32
        %mul3A_581 = arith.constant 4096 : i32
        %mul3A_582 = arith.muli %add3A, %mul3A_581 : i32
        %add3A_583 = arith.addi %mul3A_580, %mul3A_582 : i32
        %mul3A_584 = arith.constant 256 : i32
        %mul3A_585 = arith.muli %sub3A_578, %mul3A_584 : i32
        %add3A_586 = arith.addi %add3A_583, %mul3A_585 : i32
        %dma_wait3A_587 = arith.constant 1 : i32
        %dma_wait3A_588 = arith.constant 1 : i32
        %dma_wait3A_589 = arith.constant 0 : i32
        %dma_wait3A_590 = arith.constant 0 : i32
        %dma_wait3A_591 = tpu.memref_slice %arg10[%dma_wait3A_587, %dma_wait3A_588, %dma_wait3A_589, %dma_wait3A_590] : memref<2x2x256x64xf32, #tpu.memory_space<vmem>> -> memref<1x1x256x64xf32, #tpu.memory_space<vmem>>
        %dma_wait3A_592 = tpu.memref_squeeze %dma_wait3A_591 : memref<1x1x256x64xf32, #tpu.memory_space<vmem>> -> memref<256x64xf32, #tpu.memory_space<vmem>>
        %dma_wait3A_593 = arith.constant 0 : i32
        %dma_wait3A_594 = tpu.memref_slice %arg5[%add3A_586, %dma_wait3A_593] : memref<524288x64xf32, #tpu.memory_space<hbm>> -> memref<256x64xf32, #tpu.memory_space<hbm>>
        %dma_wait3A_595 = arith.constant 0 : i32
        %dma_wait3A_596 = tpu.memref_slice %arg5[%add3A_586, %dma_wait3A_595] : memref<524288x64xf32, #tpu.memory_space<hbm>> -> memref<256x64xf32, #tpu.memory_space<hbm>>
        %dma_wait3A_597 = arith.constant 0 : i32
        %dma_wait3A_598 = arith.constant 0 : i32
        %dma_wait3A_599 = tpu.memref_slice %arg10[%dma_wait3A_587, %dma_wait3A_588, %dma_wait3A_597, %dma_wait3A_598] : memref<2x2x256x64xf32, #tpu.memory_space<vmem>> -> memref<1x1x256x64xf32, #tpu.memory_space<vmem>>
        %dma_wait3A_600 = tpu.memref_squeeze %dma_wait3A_599 : memref<1x1x256x64xf32, #tpu.memory_space<vmem>> -> memref<256x64xf32, #tpu.memory_space<vmem>>
        tpu.wait_dma2 semaphore(%arg13 : memref<!tpu.dma_semaphore, #tpu.memory_space<semaphore_mem>>) src(%dma_wait3A_600 : memref<256x64xf32, #tpu.memory_space<vmem>>) dst(%dma_wait3A_596 : memref<256x64xf32, #tpu.memory_space<hbm>>)
      } else {
      }
      %add3A_230 = arith.constant 0 : i32
      %add3A_231 = arith.addi %add3A_103, %add3A_230 : i32
      %mul3A_232 = arith.constant 256 : i32
      %mul3A_233 = arith.muli %add3A_231, %mul3A_232 : i32
      %dma_start3A_234 = arith.constant 1 : i32
      %dma_start3A_235 = arith.constant 0 : i32
      %dma_start3A_236 = arith.constant 0 : i32
      %dma_start3A_237 = arith.constant 0 : i32
      %dma_start3A_238 = tpu.memref_slice %arg10[%dma_start3A_234, %dma_start3A_235, %dma_start3A_236, %dma_start3A_237] : memref<2x2x256x64xf32, #tpu.memory_space<vmem>> -> memref<1x1x256x64xf32, #tpu.memory_space<vmem>>
      %dma_start3A_239 = tpu.memref_squeeze %dma_start3A_238 : memref<1x1x256x64xf32, #tpu.memory_space<vmem>> -> memref<256x64xf32, #tpu.memory_space<vmem>>
      %dma_start3A_240 = tpu.memref_slice %arg8[%mul3A_233] : memref<16384xi32, #tpu.memory_space<vmem>> -> memref<256xi32, #tpu.memory_space<vmem>>
      %dma_start3A_241 = arith.constant 0 : i32
      %dma_start3A_242 = arith.constant 0 : i32
      %dma_start3A_243 = tpu.memref_slice %arg9[%dma_start3A_241, %dma_start3A_242] : memref<1024x64xf32, #tpu.memory_space<vmem_shared>> -> memref<1024x64xf32, #tpu.memory_space<vmem_shared>>
      tpu.enqueue_indirect_dma source(%dma_start3A_243 : memref<1024x64xf32, #tpu.memory_space<vmem_shared>>) target(%dma_start3A_239 : memref<256x64xf32, #tpu.memory_space<vmem>>) offsets(%dma_start3A_240 : memref<256xi32, #tpu.memory_space<vmem>>) semaphore(%arg11 : memref<!tpu.dma_semaphore, #tpu.memory_space<semaphore_mem>>)
      %add3A_244 = arith.constant 1 : i32
      %add3A_245 = arith.addi %add3A_103, %add3A_244 : i32
      %mul3A_246 = arith.constant 256 : i32
      %mul3A_247 = arith.muli %add3A_245, %mul3A_246 : i32
      %dma_start3A_248 = arith.constant 1 : i32
      %dma_start3A_249 = arith.constant 1 : i32
      %dma_start3A_250 = arith.constant 0 : i32
      %dma_start3A_251 = arith.constant 0 : i32
      %dma_start3A_252 = tpu.memref_slice %arg10[%dma_start3A_248, %dma_start3A_249, %dma_start3A_250, %dma_start3A_251] : memref<2x2x256x64xf32, #tpu.memory_space<vmem>> -> memref<1x1x256x64xf32, #tpu.memory_space<vmem>>
      %dma_start3A_253 = tpu.memref_squeeze %dma_start3A_252 : memref<1x1x256x64xf32, #tpu.memory_space<vmem>> -> memref<256x64xf32, #tpu.memory_space<vmem>>
      %dma_start3A_254 = tpu.memref_slice %arg8[%mul3A_247] : memref<16384xi32, #tpu.memory_space<vmem>> -> memref<256xi32, #tpu.memory_space<vmem>>
      %dma_start3A_255 = arith.constant 0 : i32
      %dma_start3A_256 = arith.constant 0 : i32
      %dma_start3A_257 = tpu.memref_slice %arg9[%dma_start3A_255, %dma_start3A_256] : memref<1024x64xf32, #tpu.memory_space<vmem_shared>> -> memref<1024x64xf32, #tpu.memory_space<vmem_shared>>
      tpu.enqueue_indirect_dma source(%dma_start3A_257 : memref<1024x64xf32, #tpu.memory_space<vmem_shared>>) target(%dma_start3A_253 : memref<256x64xf32, #tpu.memory_space<vmem>>) offsets(%dma_start3A_254 : memref<256xi32, #tpu.memory_space<vmem>>) semaphore(%arg11 : memref<!tpu.dma_semaphore, #tpu.memory_space<semaphore_mem>>)
      %add3A_258 = arith.constant 0 : i32
      %add3A_259 = arith.addi %add3A_103, %add3A_258 : i32
      %mul3A_260 = arith.constant 256 : i32
      %mul3A_261 = arith.muli %add3A_259, %mul3A_260 : i32
      %dma_wait3A_262 = arith.constant 1 : i32
      %dma_wait3A_263 = arith.constant 0 : i32
      %dma_wait3A_264 = arith.constant 0 : i32
      %dma_wait3A_265 = arith.constant 0 : i32
      %dma_wait3A_266 = tpu.memref_slice %arg10[%dma_wait3A_262, %dma_wait3A_263, %dma_wait3A_264, %dma_wait3A_265] : memref<2x2x256x64xf32, #tpu.memory_space<vmem>> -> memref<1x1x256x64xf32, #tpu.memory_space<vmem>>
      %dma_wait3A_267 = tpu.memref_squeeze %dma_wait3A_266 : memref<1x1x256x64xf32, #tpu.memory_space<vmem>> -> memref<256x64xf32, #tpu.memory_space<vmem>>
      %dma_wait3A_268 = tpu.memref_slice %arg8[%mul3A_261] : memref<16384xi32, #tpu.memory_space<vmem>> -> memref<256xi32, #tpu.memory_space<vmem>>
      %dma_wait3A_269 = arith.constant 0 : i32
      %dma_wait3A_270 = arith.constant 0 : i32
      %dma_wait3A_271 = tpu.memref_slice %arg9[%dma_wait3A_269, %dma_wait3A_270] : memref<1024x64xf32, #tpu.memory_space<vmem_shared>> -> memref<1024x64xf32, #tpu.memory_space<vmem_shared>>
      tpu.wait_indirect_dma semaphore(%arg11 : memref<!tpu.dma_semaphore, #tpu.memory_space<semaphore_mem>>) src(%dma_wait3A_271 : memref<1024x64xf32, #tpu.memory_space<vmem_shared>>) dst(%dma_wait3A_267 : memref<256x64xf32, #tpu.memory_space<vmem>>)
      %add3A_272 = arith.constant 1 : i32
      %add3A_273 = arith.addi %add3A_103, %add3A_272 : i32
      %mul3A_274 = arith.constant 256 : i32
      %mul3A_275 = arith.muli %add3A_273, %mul3A_274 : i32
      %dma_wait3A_276 = arith.constant 1 : i32
      %dma_wait3A_277 = arith.constant 1 : i32
      %dma_wait3A_278 = arith.constant 0 : i32
      %dma_wait3A_279 = arith.constant 0 : i32
      %dma_wait3A_280 = tpu.memref_slice %arg10[%dma_wait3A_276, %dma_wait3A_277, %dma_wait3A_278, %dma_wait3A_279] : memref<2x2x256x64xf32, #tpu.memory_space<vmem>> -> memref<1x1x256x64xf32, #tpu.memory_space<vmem>>
      %dma_wait3A_281 = tpu.memref_squeeze %dma_wait3A_280 : memref<1x1x256x64xf32, #tpu.memory_space<vmem>> -> memref<256x64xf32, #tpu.memory_space<vmem>>
      %dma_wait3A_282 = tpu.memref_slice %arg8[%mul3A_275] : memref<16384xi32, #tpu.memory_space<vmem>> -> memref<256xi32, #tpu.memory_space<vmem>>
      %dma_wait3A_283 = arith.constant 0 : i32
      %dma_wait3A_284 = arith.constant 0 : i32
      %dma_wait3A_285 = tpu.memref_slice %arg9[%dma_wait3A_283, %dma_wait3A_284] : memref<1024x64xf32, #tpu.memory_space<vmem_shared>> -> memref<1024x64xf32, #tpu.memory_space<vmem_shared>>
      tpu.wait_indirect_dma semaphore(%arg11 : memref<!tpu.dma_semaphore, #tpu.memory_space<semaphore_mem>>) src(%dma_wait3A_285 : memref<1024x64xf32, #tpu.memory_space<vmem_shared>>) dst(%dma_wait3A_281 : memref<256x64xf32, #tpu.memory_space<vmem>>)
      %add3A_286 = arith.constant 0 : i32
      %add3A_287 = arith.addi %add3A_103, %add3A_286 : i32
      %jit3A_288 = arith.constant 16 : i32
      %div3A_289 = arith.divsi %add3A_287, %jit3A_288 : i32
      %sign3A_290 = arith.constant 0 : i32
      %sign3A_291 = arith.cmpi sgt, %add3A_287, %sign3A_290 : i32
      %sign3A_292 = arith.extui %sign3A_291 : i1 to i32
      %sign3A_293 = arith.constant 0 : i32
      %sign3A_294 = arith.cmpi slt, %add3A_287, %sign3A_293 : i32
      %sign3A_295 = arith.extui %sign3A_294 : i1 to i32
      %sign3A_296 = arith.subi %sign3A_292, %sign3A_295 : i32
      %sign3A_297 = arith.constant 0 : i32
      %sign3A_298 = arith.cmpi sgt, %jit3A_288, %sign3A_297 : i32
      %sign3A_299 = arith.extui %sign3A_298 : i1 to i32
      %sign3A_300 = arith.constant 0 : i32
      %sign3A_301 = arith.cmpi slt, %jit3A_288, %sign3A_300 : i32
      %sign3A_302 = arith.extui %sign3A_301 : i1 to i32
      %sign3A_303 = arith.subi %sign3A_299, %sign3A_302 : i32
      %ne3A_304 = arith.cmpi ne, %sign3A_296, %sign3A_303 : i32
      %rem3A_305 = arith.remsi %add3A_287, %jit3A_288 : i32
      %ne3A_306 = arith.constant 0 : i32
      %ne3A_307 = arith.cmpi ne, %rem3A_305, %ne3A_306 : i32
      %and3A_308 = arith.andi %ne3A_304, %ne3A_307 : i1
      %sub3A_309 = arith.constant 1 : i32
      %sub3A_310 = arith.subi %div3A_289, %sub3A_309 : i32
      %select_n3A_311 = arith.select %and3A_308, %sub3A_310, %div3A_289 : i32
      %mul3A_312 = arith.constant 16 : i32
      %mul3A_313 = arith.muli %select_n3A_311, %mul3A_312 : i32
      %sub3A_314 = arith.subi %add3A_287, %mul3A_313 : i32
      %mul3A_315 = arith.constant 131072 : i32
      %mul3A_316 = arith.muli %select_n3A_311, %mul3A_315 : i32
      %mul3A_317 = arith.constant 4096 : i32
      %mul3A_318 = arith.muli %add3A, %mul3A_317 : i32
      %add3A_319 = arith.addi %mul3A_316, %mul3A_318 : i32
      %mul3A_320 = arith.constant 256 : i32
      %mul3A_321 = arith.muli %sub3A_314, %mul3A_320 : i32
      %add3A_322 = arith.addi %add3A_319, %mul3A_321 : i32
      %dma_start3A_323 = arith.constant 1 : i32
      %dma_start3A_324 = arith.constant 0 : i32
      %dma_start3A_325 = arith.constant 0 : i32
      %dma_start3A_326 = arith.constant 0 : i32
      %dma_start3A_327 = tpu.memref_slice %arg10[%dma_start3A_323, %dma_start3A_324, %dma_start3A_325, %dma_start3A_326] : memref<2x2x256x64xf32, #tpu.memory_space<vmem>> -> memref<1x1x256x64xf32, #tpu.memory_space<vmem>>
      %dma_start3A_328 = tpu.memref_squeeze %dma_start3A_327 : memref<1x1x256x64xf32, #tpu.memory_space<vmem>> -> memref<256x64xf32, #tpu.memory_space<vmem>>
      %dma_start3A_329 = arith.constant 0 : i32
      %dma_start3A_330 = tpu.memref_slice %arg5[%add3A_322, %dma_start3A_329] : memref<524288x64xf32, #tpu.memory_space<hbm>> -> memref<256x64xf32, #tpu.memory_space<hbm>>
      %dma_start3A_331 = arith.constant 0 : i32
      %dma_start3A_332 = tpu.memref_slice %arg5[%add3A_322, %dma_start3A_331] : memref<524288x64xf32, #tpu.memory_space<hbm>> -> memref<256x64xf32, #tpu.memory_space<hbm>>
      %dma_start3A_333 = arith.constant 0 : i32
      %dma_start3A_334 = arith.constant 0 : i32
      %dma_start3A_335 = tpu.memref_slice %arg10[%dma_start3A_323, %dma_start3A_324, %dma_start3A_333, %dma_start3A_334] : memref<2x2x256x64xf32, #tpu.memory_space<vmem>> -> memref<1x1x256x64xf32, #tpu.memory_space<vmem>>
      %dma_start3A_336 = tpu.memref_squeeze %dma_start3A_335 : memref<1x1x256x64xf32, #tpu.memory_space<vmem>> -> memref<256x64xf32, #tpu.memory_space<vmem>>
      tpu.enqueue_dma source(%dma_start3A_336 : memref<256x64xf32, #tpu.memory_space<vmem>>) target(%dma_start3A_332 : memref<256x64xf32, #tpu.memory_space<hbm>>) target_semaphore(%arg13 : memref<!tpu.dma_semaphore, #tpu.memory_space<semaphore_mem>>)
      %add3A_337 = arith.constant 1 : i32
      %add3A_338 = arith.addi %add3A_103, %add3A_337 : i32
      %jit3A_339 = arith.constant 16 : i32
      %div3A_340 = arith.divsi %add3A_338, %jit3A_339 : i32
      %sign3A_341 = arith.constant 0 : i32
      %sign3A_342 = arith.cmpi sgt, %add3A_338, %sign3A_341 : i32
      %sign3A_343 = arith.extui %sign3A_342 : i1 to i32
      %sign3A_344 = arith.constant 0 : i32
      %sign3A_345 = arith.cmpi slt, %add3A_338, %sign3A_344 : i32
      %sign3A_346 = arith.extui %sign3A_345 : i1 to i32
      %sign3A_347 = arith.subi %sign3A_343, %sign3A_346 : i32
      %sign3A_348 = arith.constant 0 : i32
      %sign3A_349 = arith.cmpi sgt, %jit3A_339, %sign3A_348 : i32
      %sign3A_350 = arith.extui %sign3A_349 : i1 to i32
      %sign3A_351 = arith.constant 0 : i32
      %sign3A_352 = arith.cmpi slt, %jit3A_339, %sign3A_351 : i32
      %sign3A_353 = arith.extui %sign3A_352 : i1 to i32
      %sign3A_354 = arith.subi %sign3A_350, %sign3A_353 : i32
      %ne3A_355 = arith.cmpi ne, %sign3A_347, %sign3A_354 : i32
      %rem3A_356 = arith.remsi %add3A_338, %jit3A_339 : i32
      %ne3A_357 = arith.constant 0 : i32
      %ne3A_358 = arith.cmpi ne, %rem3A_356, %ne3A_357 : i32
      %and3A_359 = arith.andi %ne3A_355, %ne3A_358 : i1
      %sub3A_360 = arith.constant 1 : i32
      %sub3A_361 = arith.subi %div3A_340, %sub3A_360 : i32
      %select_n3A_362 = arith.select %and3A_359, %sub3A_361, %div3A_340 : i32
      %mul3A_363 = arith.constant 16 : i32
      %mul3A_364 = arith.muli %select_n3A_362, %mul3A_363 : i32
      %sub3A_365 = arith.subi %add3A_338, %mul3A_364 : i32
      %mul3A_366 = arith.constant 131072 : i32
      %mul3A_367 = arith.muli %select_n3A_362, %mul3A_366 : i32
      %mul3A_368 = arith.constant 4096 : i32
      %mul3A_369 = arith.muli %add3A, %mul3A_368 : i32
      %add3A_370 = arith.addi %mul3A_367, %mul3A_369 : i32
      %mul3A_371 = arith.constant 256 : i32
      %mul3A_372 = arith.muli %sub3A_365, %mul3A_371 : i32
      %add3A_373 = arith.addi %add3A_370, %mul3A_372 : i32
      %dma_start3A_374 = arith.constant 1 : i32
      %dma_start3A_375 = arith.constant 1 : i32
      %dma_start3A_376 = arith.constant 0 : i32
      %dma_start3A_377 = arith.constant 0 : i32
      %dma_start3A_378 = tpu.memref_slice %arg10[%dma_start3A_374, %dma_start3A_375, %dma_start3A_376, %dma_start3A_377] : memref<2x2x256x64xf32, #tpu.memory_space<vmem>> -> memref<1x1x256x64xf32, #tpu.memory_space<vmem>>
      %dma_start3A_379 = tpu.memref_squeeze %dma_start3A_378 : memref<1x1x256x64xf32, #tpu.memory_space<vmem>> -> memref<256x64xf32, #tpu.memory_space<vmem>>
      %dma_start3A_380 = arith.constant 0 : i32
      %dma_start3A_381 = tpu.memref_slice %arg5[%add3A_373, %dma_start3A_380] : memref<524288x64xf32, #tpu.memory_space<hbm>> -> memref<256x64xf32, #tpu.memory_space<hbm>>
      %dma_start3A_382 = arith.constant 0 : i32
      %dma_start3A_383 = tpu.memref_slice %arg5[%add3A_373, %dma_start3A_382] : memref<524288x64xf32, #tpu.memory_space<hbm>> -> memref<256x64xf32, #tpu.memory_space<hbm>>
      %dma_start3A_384 = arith.constant 0 : i32
      %dma_start3A_385 = arith.constant 0 : i32
      %dma_start3A_386 = tpu.memref_slice %arg10[%dma_start3A_374, %dma_start3A_375, %dma_start3A_384, %dma_start3A_385] : memref<2x2x256x64xf32, #tpu.memory_space<vmem>> -> memref<1x1x256x64xf32, #tpu.memory_space<vmem>>
      %dma_start3A_387 = tpu.memref_squeeze %dma_start3A_386 : memref<1x1x256x64xf32, #tpu.memory_space<vmem>> -> memref<256x64xf32, #tpu.memory_space<vmem>>
      tpu.enqueue_dma source(%dma_start3A_387 : memref<256x64xf32, #tpu.memory_space<vmem>>) target(%dma_start3A_383 : memref<256x64xf32, #tpu.memory_space<hbm>>) target_semaphore(%arg13 : memref<!tpu.dma_semaphore, #tpu.memory_space<semaphore_mem>>)
      %add3A_388 = arith.constant 0 : i32
      %add3A_389 = arith.addi %mul3A_101, %add3A_388 : i32
      %jit3A_390 = arith.constant 16 : i32
      %div3A_391 = arith.divsi %add3A_389, %jit3A_390 : i32
      %sign3A_392 = arith.constant 0 : i32
      %sign3A_393 = arith.cmpi sgt, %add3A_389, %sign3A_392 : i32
      %sign3A_394 = arith.extui %sign3A_393 : i1 to i32
      %sign3A_395 = arith.constant 0 : i32
      %sign3A_396 = arith.cmpi slt, %add3A_389, %sign3A_395 : i32
      %sign3A_397 = arith.extui %sign3A_396 : i1 to i32
      %sign3A_398 = arith.subi %sign3A_394, %sign3A_397 : i32
      %sign3A_399 = arith.constant 0 : i32
      %sign3A_400 = arith.cmpi sgt, %jit3A_390, %sign3A_399 : i32
      %sign3A_401 = arith.extui %sign3A_400 : i1 to i32
      %sign3A_402 = arith.constant 0 : i32
      %sign3A_403 = arith.cmpi slt, %jit3A_390, %sign3A_402 : i32
      %sign3A_404 = arith.extui %sign3A_403 : i1 to i32
      %sign3A_405 = arith.subi %sign3A_401, %sign3A_404 : i32
      %ne3A_406 = arith.cmpi ne, %sign3A_398, %sign3A_405 : i32
      %rem3A_407 = arith.remsi %add3A_389, %jit3A_390 : i32
      %ne3A_408 = arith.constant 0 : i32
      %ne3A_409 = arith.cmpi ne, %rem3A_407, %ne3A_408 : i32
      %and3A_410 = arith.andi %ne3A_406, %ne3A_409 : i1
      %sub3A_411 = arith.constant 1 : i32
      %sub3A_412 = arith.subi %div3A_391, %sub3A_411 : i32
      %select_n3A_413 = arith.select %and3A_410, %sub3A_412, %div3A_391 : i32
      %mul3A_414 = arith.constant 16 : i32
      %mul3A_415 = arith.muli %select_n3A_413, %mul3A_414 : i32
      %sub3A_416 = arith.subi %add3A_389, %mul3A_415 : i32
      %mul3A_417 = arith.constant 131072 : i32
      %mul3A_418 = arith.muli %select_n3A_413, %mul3A_417 : i32
      %mul3A_419 = arith.constant 4096 : i32
      %mul3A_420 = arith.muli %add3A, %mul3A_419 : i32
      %add3A_421 = arith.addi %mul3A_418, %mul3A_420 : i32
      %mul3A_422 = arith.constant 256 : i32
      %mul3A_423 = arith.muli %sub3A_416, %mul3A_422 : i32
      %add3A_424 = arith.addi %add3A_421, %mul3A_423 : i32
      %dma_wait3A_425 = arith.constant 0 : i32
      %dma_wait3A_426 = arith.constant 0 : i32
      %dma_wait3A_427 = arith.constant 0 : i32
      %dma_wait3A_428 = arith.constant 0 : i32
      %dma_wait3A_429 = tpu.memref_slice %arg10[%dma_wait3A_425, %dma_wait3A_426, %dma_wait3A_427, %dma_wait3A_428] : memref<2x2x256x64xf32, #tpu.memory_space<vmem>> -> memref<1x1x256x64xf32, #tpu.memory_space<vmem>>
      %dma_wait3A_430 = tpu.memref_squeeze %dma_wait3A_429 : memref<1x1x256x64xf32, #tpu.memory_space<vmem>> -> memref<256x64xf32, #tpu.memory_space<vmem>>
      %dma_wait3A_431 = arith.constant 0 : i32
      %dma_wait3A_432 = tpu.memref_slice %arg5[%add3A_424, %dma_wait3A_431] : memref<524288x64xf32, #tpu.memory_space<hbm>> -> memref<256x64xf32, #tpu.memory_space<hbm>>
      %dma_wait3A_433 = arith.constant 0 : i32
      %dma_wait3A_434 = tpu.memref_slice %arg5[%add3A_424, %dma_wait3A_433] : memref<524288x64xf32, #tpu.memory_space<hbm>> -> memref<256x64xf32, #tpu.memory_space<hbm>>
      %dma_wait3A_435 = arith.constant 0 : i32
      %dma_wait3A_436 = arith.constant 0 : i32
      %dma_wait3A_437 = tpu.memref_slice %arg10[%dma_wait3A_425, %dma_wait3A_426, %dma_wait3A_435, %dma_wait3A_436] : memref<2x2x256x64xf32, #tpu.memory_space<vmem>> -> memref<1x1x256x64xf32, #tpu.memory_space<vmem>>
      %dma_wait3A_438 = tpu.memref_squeeze %dma_wait3A_437 : memref<1x1x256x64xf32, #tpu.memory_space<vmem>> -> memref<256x64xf32, #tpu.memory_space<vmem>>
      tpu.wait_dma2 semaphore(%arg12 : memref<!tpu.dma_semaphore, #tpu.memory_space<semaphore_mem>>) src(%dma_wait3A_438 : memref<256x64xf32, #tpu.memory_space<vmem>>) dst(%dma_wait3A_434 : memref<256x64xf32, #tpu.memory_space<hbm>>)
      %add3A_439 = arith.constant 1 : i32
      %add3A_440 = arith.addi %mul3A_101, %add3A_439 : i32
      %jit3A_441 = arith.constant 16 : i32
      %div3A_442 = arith.divsi %add3A_440, %jit3A_441 : i32
      %sign3A_443 = arith.constant 0 : i32
      %sign3A_444 = arith.cmpi sgt, %add3A_440, %sign3A_443 : i32
      %sign3A_445 = arith.extui %sign3A_444 : i1 to i32
      %sign3A_446 = arith.constant 0 : i32
      %sign3A_447 = arith.cmpi slt, %add3A_440, %sign3A_446 : i32
      %sign3A_448 = arith.extui %sign3A_447 : i1 to i32
      %sign3A_449 = arith.subi %sign3A_445, %sign3A_448 : i32
      %sign3A_450 = arith.constant 0 : i32
      %sign3A_451 = arith.cmpi sgt, %jit3A_441, %sign3A_450 : i32
      %sign3A_452 = arith.extui %sign3A_451 : i1 to i32
      %sign3A_453 = arith.constant 0 : i32
      %sign3A_454 = arith.cmpi slt, %jit3A_441, %sign3A_453 : i32
      %sign3A_455 = arith.extui %sign3A_454 : i1 to i32
      %sign3A_456 = arith.subi %sign3A_452, %sign3A_455 : i32
      %ne3A_457 = arith.cmpi ne, %sign3A_449, %sign3A_456 : i32
      %rem3A_458 = arith.remsi %add3A_440, %jit3A_441 : i32
      %ne3A_459 = arith.constant 0 : i32
      %ne3A_460 = arith.cmpi ne, %rem3A_458, %ne3A_459 : i32
      %and3A_461 = arith.andi %ne3A_457, %ne3A_460 : i1
      %sub3A_462 = arith.constant 1 : i32
      %sub3A_463 = arith.subi %div3A_442, %sub3A_462 : i32
      %select_n3A_464 = arith.select %and3A_461, %sub3A_463, %div3A_442 : i32
      %mul3A_465 = arith.constant 16 : i32
      %mul3A_466 = arith.muli %select_n3A_464, %mul3A_465 : i32
      %sub3A_467 = arith.subi %add3A_440, %mul3A_466 : i32
      %mul3A_468 = arith.constant 131072 : i32
      %mul3A_469 = arith.muli %select_n3A_464, %mul3A_468 : i32
      %mul3A_470 = arith.constant 4096 : i32
      %mul3A_471 = arith.muli %add3A, %mul3A_470 : i32
      %add3A_472 = arith.addi %mul3A_469, %mul3A_471 : i32
      %mul3A_473 = arith.constant 256 : i32
      %mul3A_474 = arith.muli %sub3A_467, %mul3A_473 : i32
      %add3A_475 = arith.addi %add3A_472, %mul3A_474 : i32
      %dma_wait3A_476 = arith.constant 0 : i32
      %dma_wait3A_477 = arith.constant 1 : i32
      %dma_wait3A_478 = arith.constant 0 : i32
      %dma_wait3A_479 = arith.constant 0 : i32
      %dma_wait3A_480 = tpu.memref_slice %arg10[%dma_wait3A_476, %dma_wait3A_477, %dma_wait3A_478, %dma_wait3A_479] : memref<2x2x256x64xf32, #tpu.memory_space<vmem>> -> memref<1x1x256x64xf32, #tpu.memory_space<vmem>>
      %dma_wait3A_481 = tpu.memref_squeeze %dma_wait3A_480 : memref<1x1x256x64xf32, #tpu.memory_space<vmem>> -> memref<256x64xf32, #tpu.memory_space<vmem>>
      %dma_wait3A_482 = arith.constant 0 : i32
      %dma_wait3A_483 = tpu.memref_slice %arg5[%add3A_475, %dma_wait3A_482] : memref<524288x64xf32, #tpu.memory_space<hbm>> -> memref<256x64xf32, #tpu.memory_space<hbm>>
      %dma_wait3A_484 = arith.constant 0 : i32
      %dma_wait3A_485 = tpu.memref_slice %arg5[%add3A_475, %dma_wait3A_484] : memref<524288x64xf32, #tpu.memory_space<hbm>> -> memref<256x64xf32, #tpu.memory_space<hbm>>
      %dma_wait3A_486 = arith.constant 0 : i32
      %dma_wait3A_487 = arith.constant 0 : i32
      %dma_wait3A_488 = tpu.memref_slice %arg10[%dma_wait3A_476, %dma_wait3A_477, %dma_wait3A_486, %dma_wait3A_487] : memref<2x2x256x64xf32, #tpu.memory_space<vmem>> -> memref<1x1x256x64xf32, #tpu.memory_space<vmem>>
      %dma_wait3A_489 = tpu.memref_squeeze %dma_wait3A_488 : memref<1x1x256x64xf32, #tpu.memory_space<vmem>> -> memref<256x64xf32, #tpu.memory_space<vmem>>
      tpu.wait_dma2 semaphore(%arg12 : memref<!tpu.dma_semaphore, #tpu.memory_space<semaphore_mem>>) src(%dma_wait3A_489 : memref<256x64xf32, #tpu.memory_space<vmem>>) dst(%dma_wait3A_485 : memref<256x64xf32, #tpu.memory_space<hbm>>)
      %lt3A = arith.constant 15 : i32
      %lt3A_490 = arith.cmpi slt, %scan3A_96, %lt3A : i32
      %convert_element_type3A_491 = arith.extui %lt3A_490 : i1 to i32
      %cond3A_492 = arith.constant 0 : i32
      %cond3A_493 = arith.cmpi ne, %convert_element_type3A_491, %cond3A_492 : i32
      scf.if %cond3A_493 {
        %add3A_495 = arith.constant 2 : i32
        %add3A_496 = arith.addi %add3A_103, %add3A_495 : i32
        %add3A_497 = arith.constant 0 : i32
        %add3A_498 = arith.addi %add3A_496, %add3A_497 : i32
        %mul3A_499 = arith.constant 256 : i32
        %mul3A_500 = arith.muli %add3A_498, %mul3A_499 : i32
        %dma_start3A_501 = arith.constant 0 : i32
        %dma_start3A_502 = arith.constant 0 : i32
        %dma_start3A_503 = arith.constant 0 : i32
        %dma_start3A_504 = arith.constant 0 : i32
        %dma_start3A_505 = tpu.memref_slice %arg10[%dma_start3A_501, %dma_start3A_502, %dma_start3A_503, %dma_start3A_504] : memref<2x2x256x64xf32, #tpu.memory_space<vmem>> -> memref<1x1x256x64xf32, #tpu.memory_space<vmem>>
        %dma_start3A_506 = tpu.memref_squeeze %dma_start3A_505 : memref<1x1x256x64xf32, #tpu.memory_space<vmem>> -> memref<256x64xf32, #tpu.memory_space<vmem>>
        %dma_start3A_507 = tpu.memref_slice %arg8[%mul3A_500] : memref<16384xi32, #tpu.memory_space<vmem>> -> memref<256xi32, #tpu.memory_space<vmem>>
        %dma_start3A_508 = arith.constant 0 : i32
        %dma_start3A_509 = arith.constant 0 : i32
        %dma_start3A_510 = tpu.memref_slice %arg9[%dma_start3A_508, %dma_start3A_509] : memref<1024x64xf32, #tpu.memory_space<vmem_shared>> -> memref<1024x64xf32, #tpu.memory_space<vmem_shared>>
        tpu.enqueue_indirect_dma source(%dma_start3A_510 : memref<1024x64xf32, #tpu.memory_space<vmem_shared>>) target(%dma_start3A_506 : memref<256x64xf32, #tpu.memory_space<vmem>>) offsets(%dma_start3A_507 : memref<256xi32, #tpu.memory_space<vmem>>) semaphore(%arg11 : memref<!tpu.dma_semaphore, #tpu.memory_space<semaphore_mem>>)
        %add3A_511 = arith.constant 2 : i32
        %add3A_512 = arith.addi %add3A_103, %add3A_511 : i32
        %add3A_513 = arith.constant 1 : i32
        %add3A_514 = arith.addi %add3A_512, %add3A_513 : i32
        %mul3A_515 = arith.constant 256 : i32
        %mul3A_516 = arith.muli %add3A_514, %mul3A_515 : i32
        %dma_start3A_517 = arith.constant 0 : i32
        %dma_start3A_518 = arith.constant 1 : i32
        %dma_start3A_519 = arith.constant 0 : i32
        %dma_start3A_520 = arith.constant 0 : i32
        %dma_start3A_521 = tpu.memref_slice %arg10[%dma_start3A_517, %dma_start3A_518, %dma_start3A_519, %dma_start3A_520] : memref<2x2x256x64xf32, #tpu.memory_space<vmem>> -> memref<1x1x256x64xf32, #tpu.memory_space<vmem>>
        %dma_start3A_522 = tpu.memref_squeeze %dma_start3A_521 : memref<1x1x256x64xf32, #tpu.memory_space<vmem>> -> memref<256x64xf32, #tpu.memory_space<vmem>>
        %dma_start3A_523 = tpu.memref_slice %arg8[%mul3A_516] : memref<16384xi32, #tpu.memory_space<vmem>> -> memref<256xi32, #tpu.memory_space<vmem>>
        %dma_start3A_524 = arith.constant 0 : i32
        %dma_start3A_525 = arith.constant 0 : i32
        %dma_start3A_526 = tpu.memref_slice %arg9[%dma_start3A_524, %dma_start3A_525] : memref<1024x64xf32, #tpu.memory_space<vmem_shared>> -> memref<1024x64xf32, #tpu.memory_space<vmem_shared>>
        tpu.enqueue_indirect_dma source(%dma_start3A_526 : memref<1024x64xf32, #tpu.memory_space<vmem_shared>>) target(%dma_start3A_522 : memref<256x64xf32, #tpu.memory_space<vmem>>) offsets(%dma_start3A_523 : memref<256xi32, #tpu.memory_space<vmem>>) semaphore(%arg11 : memref<!tpu.dma_semaphore, #tpu.memory_space<semaphore_mem>>)
      } else {
      }
      %scan3A_494 = arith.constant 0 : i32
      scf.yield %scan3A_494 : i32
    }
    %scan3A_55 = arith.constant 16 : i32
    %mul3A_56 = arith.constant 4096 : i32
    %mul3A_57 = arith.muli %add3A, %mul3A_56 : i32
    %add3A_58 = arith.constant 393216 : i32
    %add3A_59 = arith.addi %add3A_58, %mul3A_57 : i32
    %add3A_60 = arith.constant 3584 : i32
    %add3A_61 = arith.addi %add3A_59, %add3A_60 : i32
    %dma_wait3A_62 = arith.constant 1 : i32
    %dma_wait3A_63 = arith.constant 0 : i32
    %dma_wait3A_64 = arith.constant 0 : i32
    %dma_wait3A_65 = arith.constant 0 : i32
    %dma_wait3A_66 = tpu.memref_slice %arg10[%dma_wait3A_62, %dma_wait3A_63, %dma_wait3A_64, %dma_wait3A_65] : memref<2x2x256x64xf32, #tpu.memory_space<vmem>> -> memref<1x1x256x64xf32, #tpu.memory_space<vmem>>
    %dma_wait3A_67 = tpu.memref_squeeze %dma_wait3A_66 : memref<1x1x256x64xf32, #tpu.memory_space<vmem>> -> memref<256x64xf32, #tpu.memory_space<vmem>>
    %dma_wait3A_68 = arith.constant 0 : i32
    %dma_wait3A_69 = tpu.memref_slice %arg5[%add3A_61, %dma_wait3A_68] : memref<524288x64xf32, #tpu.memory_space<hbm>> -> memref<256x64xf32, #tpu.memory_space<hbm>>
    %dma_wait3A_70 = arith.constant 0 : i32
    %dma_wait3A_71 = tpu.memref_slice %arg5[%add3A_61, %dma_wait3A_70] : memref<524288x64xf32, #tpu.memory_space<hbm>> -> memref<256x64xf32, #tpu.memory_space<hbm>>
    %dma_wait3A_72 = arith.constant 0 : i32
    %dma_wait3A_73 = arith.constant 0 : i32
    %dma_wait3A_74 = tpu.memref_slice %arg10[%dma_wait3A_62, %dma_wait3A_63, %dma_wait3A_72, %dma_wait3A_73] : memref<2x2x256x64xf32, #tpu.memory_space<vmem>> -> memref<1x1x256x64xf32, #tpu.memory_space<vmem>>
    %dma_wait3A_75 = tpu.memref_squeeze %dma_wait3A_74 : memref<1x1x256x64xf32, #tpu.memory_space<vmem>> -> memref<256x64xf32, #tpu.memory_space<vmem>>
    tpu.wait_dma2 semaphore(%arg13 : memref<!tpu.dma_semaphore, #tpu.memory_space<semaphore_mem>>) src(%dma_wait3A_75 : memref<256x64xf32, #tpu.memory_space<vmem>>) dst(%dma_wait3A_71 : memref<256x64xf32, #tpu.memory_space<hbm>>)
    %mul3A_76 = arith.constant 4096 : i32
    %mul3A_77 = arith.muli %add3A, %mul3A_76 : i32
    %add3A_78 = arith.constant 393216 : i32
    %add3A_79 = arith.addi %add3A_78, %mul3A_77 : i32
    %add3A_80 = arith.constant 3840 : i32
    %add3A_81 = arith.addi %add3A_79, %add3A_80 : i32
    %dma_wait3A_82 = arith.constant 1 : i32
    %dma_wait3A_83 = arith.constant 1 : i32
    %dma_wait3A_84 = arith.constant 0 : i32
    %dma_wait3A_85 = arith.constant 0 : i32
    %dma_wait3A_86 = tpu.memref_slice %arg10[%dma_wait3A_82, %dma_wait3A_83, %dma_wait3A_84, %dma_wait3A_85] : memref<2x2x256x64xf32, #tpu.memory_space<vmem>> -> memref<1x1x256x64xf32, #tpu.memory_space<vmem>>
    %dma_wait3A_87 = tpu.memref_squeeze %dma_wait3A_86 : memref<1x1x256x64xf32, #tpu.memory_space<vmem>> -> memref<256x64xf32, #tpu.memory_space<vmem>>
    %dma_wait3A_88 = arith.constant 0 : i32
    %dma_wait3A_89 = tpu.memref_slice %arg5[%add3A_81, %dma_wait3A_88] : memref<524288x64xf32, #tpu.memory_space<hbm>> -> memref<256x64xf32, #tpu.memory_space<hbm>>
    %dma_wait3A_90 = arith.constant 0 : i32
    %dma_wait3A_91 = tpu.memref_slice %arg5[%add3A_81, %dma_wait3A_90] : memref<524288x64xf32, #tpu.memory_space<hbm>> -> memref<256x64xf32, #tpu.memory_space<hbm>>
    %dma_wait3A_92 = arith.constant 0 : i32
    %dma_wait3A_93 = arith.constant 0 : i32
    %dma_wait3A_94 = tpu.memref_slice %arg10[%dma_wait3A_82, %dma_wait3A_83, %dma_wait3A_92, %dma_wait3A_93] : memref<2x2x256x64xf32, #tpu.memory_space<vmem>> -> memref<1x1x256x64xf32, #tpu.memory_space<vmem>>
    %dma_wait3A_95 = tpu.memref_squeeze %dma_wait3A_94 : memref<1x1x256x64xf32, #tpu.memory_space<vmem>> -> memref<256x64xf32, #tpu.memory_space<vmem>>
    tpu.wait_dma2 semaphore(%arg13 : memref<!tpu.dma_semaphore, #tpu.memory_space<semaphore_mem>>) src(%dma_wait3A_95 : memref<256x64xf32, #tpu.memory_space<vmem>>) dst(%dma_wait3A_91 : memref<256x64xf32, #tpu.memory_space<hbm>>)
    return
  }
}

</mosaic_0001>

<sc_bundles>
// kernel: kernel.3.cloned.1.call-start
scs
__scs_entry_jumppad:
0x0: {  	(pc) =	sbr.rel $0x88, $3  }
0x1: {  	(tag) =	ssettag $0x0;
	lr =	simm.s32 $0x1  }
0x2: {  	[smem:$0x3F9E] =	sst lr;
	_ =	strace $0xD0000000  }
0x3: {  	_ = 	snop  }
0x4: {  	_ = 	snop  }
0x5: {  	_ = 	snop  }
0x6: {  	_ = 	snop  }
0x7: {  	_ = 	snop  }
__scs_overlays_trampoline_lowered:
0x8: {  	[smem:$0x3FAD] =	sst s0  }
0x9: {  	[smem:$0x3FAE] =	sst s1  }
0xa: {  	[smem:$0x3FAF] =	sst s2  }
0xb: {  	[smem:$0x3FB0] =	sst s3  }
0xc: {  	[smem:$0x3FB1] =	sst s4  }
0xd: {  	[smem:$0x3FB2] =	sst s5  }
0xe: {  	[smem:$0x3FB3] =	sst s6  }
0xf: {  	[smem:$0x3FB4] =	sst s7  }
0x10: {  	[smem:$0x3FB5] =	sst s8  }
0x11: {  	[smem:$0x3FB6] =	sst s9;
	s0 =	simm.s32 @!p0 $0x0  }
0x12: {  	s1 =	sld [smem:$0x3F9C];
	s0 =	simm.s32 @p0 $0x1  }
0x13: {  	[smem:$0x3FB7] =	sst s0;
	s0 =	simm.s32 @!p1 $0x0  }
0x14: {  	s2 =	sld [smem:$0x3F9B];
	s0 =	simm.s32 @p1 $0x1  }
0x15: {  	[smem:$0x3FB8] =	sst s0;
	s0 =	simm.s32 @!p2 $0x0  }
0x16: {  	s3 =	sld [smem:$0x3FDB];
	s0 =	simm.s32 @p2 $0x1  }
0x17: {  	s4 =	simm.s32 $0x1BF5;
	[smem:$0x3FBA] =	sst s0  }
0x18: {  	s0 =	sld [smem:$0x3F9D];
	_ =	swait.ge [sflag:s4], $0x0  }
0x19: {  	s7 =	sld [smem:$0x3F9E]  }
0x1a: {  	s8 =	sadd.s32 $0xFFFFE003, lr  }
0x1b: {  	s9 =	sadd.s32 $0xFFFFFEF7, lr;
	s5 =	simm.s32 $0xFFFFFFFF;
	p2 =	slt.u32 s8, $0xFFFFF086  }
0x1c: {  	p1 =	slt.u32 s9, $0xF7A;
	s5 =	simm.s32 @!p2 $0x0  }
0x1d: {  	s5 =	simm.s32 @p1 $0x1;
	p0 =	seq.s32 s7, s2  }
0x1e: {  	s7 =	smul.u32 @!p0 $0xF7A, s2;
	p2 =	seq.s32 @!p0 s5, $0x0  }
0x1f: {  	s9 =	smul.u32 $0xF7A, s1;
	s8 =	simm.s32 @!p0 $0x1BF5;
	p2 =	por !p2, p0  }
0x20: {  	[sflag:s8] =	ssyncset.s32 @!p0 $0xFFFFF086;
	s6 =	sadd.s32 @!p0 s3, s7;
	s7 =	simm.s32 @!p0 $0x108  }
0x21: {  	s3 =	sadd.s32 s3, s9;
	s6 =	sadd.s32 @!p0 $0x88, s6;
	s7 =	simm.s32 @p2 $0x1082  }
0x22: {  	[simem:s7], [sflag:s8] =	dma.local @!p0 [hbm:s6], $0xF7A  }
0x23: {  	s9 =	sor.u32 $0xD0000000, s2;
	s6 =	simm.s32 $0x108;
	_ =	swait.ge @!p0 [sflag:s8], $0x0  }
0x24: {  	s3 =	sadd.s32 $0x88, s3;
	s6 =	simm.s32 @!p1 $0x1082;
	[sflag:s4] =	ssyncset.s32 $0xFFFFF086  }
0x25: {  	[simem:s6], [sflag:s4] =	dma.local [hbm:s3], $0xF7A  }
0x26: {  	[smem:$0x3F9E] =	sst s1;
	(tag) =	ssettag s2;
	_ =	strace s9  }
0x27: {  	s1 =	sld [smem:$0x3FAE]  }
0x28: {  	s2 =	sld [smem:$0x3FAF]  }
0x29: {  	s4 =	sld [smem:$0x3FB1]  }
0x2a: {  	p0 =	seq.s32 s5, $0x0;
	s5 =	sld [smem:$0x3FB2]  }
0x2b: {  	s6 =	sld [smem:$0x3FB3]  }
0x2c: {  	s7 =	sld [smem:$0x3FB4]  }
0x2d: {  	s3 =	simm.s32 $0x108;
	s8 =	sld [smem:$0x3FB5]  }
0x2e: {  	s3 =	simm.s32 @!p0 $0x1082;
	s9 =	sld [smem:$0x3FB6]  }
0x2f: {  	lr =	sadd.s32 s0, s3;
	s0 =	sld [smem:$0x3FAD]  }
0x30: {  	s3 =	sld [smem:$0x3FB0]  }
0x31: {  	[smem:$0x3FB9] =	sst s10  }
0x32: {  	s10 =	sld [smem:$0x3FB7];
	_ =	sdelay $0x3  }
0x33: {  	p0 =	seq.s32 s10, $0x1;
	s10 =	sld [smem:$0x3FB9];
	_ =	sdelay $0x3  }
0x34: {  	[smem:$0x3FB9] =	sst s10  }
0x35: {  	s10 =	sld [smem:$0x3FB8];
	_ =	sdelay $0x3  }
0x36: {  	p1 =	seq.s32 s10, $0x1;
	s10 =	sld [smem:$0x3FB9];
	_ =	sdelay $0x3  }
0x37: {  	[smem:$0x3FB9] =	sst s10  }
0x38: {  	s10 =	sld [smem:$0x3FBA]  }
0x39: {  	_ = 	snop;
	(pc) =	sbr.ind lr, $3  }
0x3a: {  	_ = 	snop  }
0x3b: {  	_ = 	snop  }
0x3c: {  	p2 =	seq.s32 s10, $0x1;
	s10 =	sld [smem:$0x3FB9]  }
0x3d: {  	_ =	shalt  }
0x3e: {  	_ =	shalt  }
0x3f: {  	_ =	shalt  }
0x40: {  	_ =	shalt  }
0x41: {  	_ =	shalt  }
0x42: {  	_ =	shalt  }
0x43: {  	_ =	shalt  }
0x44: {  	_ =	shalt  }
0x45: {  	_ =	shalt  }
0x46: {  	_ =	shalt  }
0x47: {  	_ =	shalt  }
0x48: {  	_ =	shalt  }
0x49: {  	_ =	shalt  }
0x4a: {  	_ =	shalt  }
0x4b: {  	_ =	shalt  }
0x4c: {  	_ =	shalt  }
0x4d: {  	_ =	shalt  }
0x4e: {  	_ =	shalt  }
0x4f: {  	_ =	shalt  }
0x50: {  	_ =	shalt  }
0x51: {  	_ =	shalt  }
0x52: {  	_ =	shalt  }
0x53: {  	_ =	shalt  }
0x54: {  	_ =	shalt  }
0x55: {  	_ =	shalt  }
0x56: {  	_ =	shalt  }
0x57: {  	_ =	shalt  }
0x58: {  	_ =	shalt  }
0x59: {  	_ =	shalt  }
0x5a: {  	_ =	shalt  }
0x5b: {  	_ =	shalt  }
0x5c: {  	_ =	shalt  }
0x5d: {  	_ =	shalt  }
0x5e: {  	_ =	shalt  }
0x5f: {  	_ =	shalt  }
0x60: {  	_ =	shalt  }
0x61: {  	_ =	shalt  }
0x62: {  	_ =	shalt  }
0x63: {  	_ =	shalt  }
0x64: {  	_ =	shalt  }
0x65: {  	_ =	shalt  }
0x66: {  	_ =	shalt  }
0x67: {  	_ =	shalt  }
0x68: {  	_ =	shalt  }
0x69: {  	_ =	shalt  }
0x6a: {  	_ =	shalt  }
0x6b: {  	_ =	shalt  }
0x6c: {  	_ =	shalt  }
0x6d: {  	_ =	shalt  }
0x6e: {  	_ =	shalt  }
0x6f: {  	_ =	shalt  }
0x70: {  	_ =	shalt  }
0x71: {  	_ =	shalt  }
0x72: {  	_ =	shalt  }
0x73: {  	_ =	shalt  }
0x74: {  	_ =	shalt  }
0x75: {  	_ =	shalt  }
0x76: {  	_ =	shalt  }
0x77: {  	_ =	shalt  }
0x78: {  	_ =	shalt  }
0x79: {  	_ =	shalt  }
0x7a: {  	_ =	shalt  }
0x7b: {  	_ =	shalt  }
0x7c: {  	_ =	shalt  }
0x7d: {  	_ =	shalt  }
0x7e: {  	_ =	shalt  }
0x7f: {  	_ =	shalt  }
0x80: {  	_ =	shalt  }
0x81: {  	_ =	shalt  }
0x82: {  	_ =	shalt  }
0x83: {  	_ =	shalt  }
0x84: {  	_ =	shalt  }
0x85: {  	_ =	shalt  }
0x86: {  	_ =	shalt  }
0x87: {  	_ =	shalt  }
.Lfunc_end0:
.L_simem_size_0:
called_computation_lowered:
.L_overlay_start_0:
0x88: {  	s2 =	sld [smem:$0x3FD9]  }
0x89: {  	s3 =	sld [smem:$0x3FFE];
	_ =	sdelay $0x1  }
0x8a: {  	s1 =	srdreg.scid  }
0x8b: {  	s0 =	sand.u32 $0x1, s1  }
0x8c: {  	s17 =	sshll.u32 s0, $0xA;
	s2 =	sadd.s32 s3, s2  }
0x8d: {  	s2 =	sadd.s32 s2, s17  }
0x8e: {  	[smem:$0x3FC5] =	sst s2  }
0x8f: {  	_ = 	snop  }
0x90: {  	s2 =	sld [smem:$0x3FC8]  }
0x91: {  	s18 =	sld [smem:$0x3FC7]  }
0x92: {  	s4 =	sld [smem:$0x3FD0];
	(tm) =	ssettm $0x1  }
0x93: {  	s5 =	sld [smem:$0x3FFB];
	_ =	sdelay $0x3  }
0x94: {  	_ =	strace s5  }
0x95: {  	s5 =	sld [smem:$0x3FFC];
	_ =	sdelay $0x3  }
0x96: {  	_ =	strace s5  }
0x97: {  	s5 =	sld [smem:$0x3FFD];
	_ =	sdelay $0x3  }
0x98: {  	_ =	strace s5  }
0x99: {  	_ =	strace $0x8FFFFFFF  }
0x9a: {  	s19 =	sld [smem:$0x3FDB];
	_ =	sdelay $0x1  }
0x9b: {  	s6 =	simm.s32 $_scs_section_size  }
0x9c: {  	s7 =	simm.s32 $_size__tile_overlayer_lowered;
	s8 =	simm.s32 $_tile_overlayer_lowered  }
0x9d: {  	s22 =	simm.s32 $0x1BFF;
	s21 =	sshll.u32 s8, $0x1;
	s5 =	sadd.s32 s6, s19  }
0x9e: {  	s9 =	simm.s32 $0x0;
	s20 =	sshll.u32 s7, $0x1;
	s7 =	sadd.s32 s21, s5  }
0x9f: {  	[timem:s9], [sflag:s22] =	dma.local [hbm:s7], s20  }
0xa0: {  	_ =	swait.ge [sflag:s22], s20  }
0xa1: {  	s6 =	ssub.s32 $0x0, s20;
	[sflag:s22] =	ssyncset.done $0x0  }
0xa2: {  	[sflag:s22] =	ssyncadd.s32 s6;
	_ =	sdelay $0x1  }
0xa3: {  	s23 =	simm.s32 $0x1B8B  }
0xa4: {  	_ =	swait.ge [sflag:s23], $0x1  }
0xa5: {  	[sflag:s23] =	ssyncset.done $0x0  }
0xa6: {  	s25 =	simm.s32 $0x1B8E;
	s24 =	sld [smem:$0x3FFE];
	[sflag:s23] =	ssyncadd.s32 $0xFFFFFFFF  }
0xa7: {  	s26 =	simm.s32 $execute0_lowered;
	[smem:$0x3FD2] =	sst s25  }
0xa8: {  	s7 =	sshll.u32 s26, $0x1;
	_ =	strace $0x80000046;
	[dreg:$0x1] =	wrdreg $0xFFFFFFFF  }
0xa9: {  	s28 =	simm.s32 $_size_execute0_lowered;
	s5 =	sadd.s32 s5, s7;
	[dreg:$0x0] =	wrdreg $0x0  }
0xaa: {  	s7 =	sshll.u32 s28, $0x1;
	[dreg:$0x2] =	wrdreg s5  }
0xab: {  	[dreg:$0x3] =	wrdreg s7  }
0xac: {  	[dreg:$0x4] =	wrdreg $0xC0  }
0xad: {  	_ =	task [dreg:s9], $0x5FFFF  }
0xae: {  	[dreg:$0x1] =	wrdreg $0xFFFFFFFF  }
0xaf: {  	[dreg:$0x0] =	wrdreg $0x60  }
0xb0: {  	[dreg:$0x2] =	wrdreg s24  }
0xb1: {  	[dreg:$0x3] =	wrdreg s2  }
0xb2: {  	[dreg:$0x4] =	wrdreg s18  }
0xb3: {  	[dreg:$0x5] =	wrdreg s4  }
0xb4: {  	[dreg:$0x6] =	wrdreg $0x50000  }
0xb5: {  	[dreg:$0x7] =	wrdreg $0x9  }
0xb6: {  	_ =	task.clear_ibuf [dreg:s9], $0x8FFFF;
	_ =	strace $0x90000046  }
0xb7: {  	s29 =	simm.s32 $0x9;
	_ =	strace $0x80000048  }
0xb8: {  	_ =	swait.ge [sflag:s29], $0x1  }
0xb9: {  	[sflag:s29] =	ssyncadd.s32 $0xFFFFFFFF  }
0xba: {  	_ =	strace $0x90000048  }
0xbb: {  	_ =	sfence  }
0xbc: {  	s30 =	sld [smem:$0x0];
	_ =	sdelay $0x2  }
0xbd: {  	s31 =	sshll.u32 s1, $0xD;
	s1 =	sshrl.u32 s1, $0x2  }
0xbe: {  	s3 =	sand.u32 $0x4000, s31;
	s1 =	sadd.s32 s1, s30  }
0xbf: {  	s0 =	sor.u32 s3, s0;
	s1 =	sshll.u32 s1, $0x11  }
0xc0: {  	s0 =	sor.u32 s1, s0  }
0xc1: {  	s0 =	sadd.s32 $0x8F2B, s0  }
0xc2: {  	[sflag:s0] =	ssyncadd.remote.s32 $0x1  }
0xc3: {  	_ =	sfence.sel $0xFFFF  }
0xc4: {  	[dreg:$0x0] =	wrdreg $0xFFFFFFFF;
	(pc) =	sbr.abs _section_cstart, $3  }
0xc5: {  	[dreg:$0x1] =	wrdreg $0xFFFFFFFF  }
0xc6: {  	_ =	task.clear_ibuf [dreg:s9], $0x2FFFF;
	_ =	strace $0x9FFFFFFF  }
0xc7: {  	(tm) =	ssettm $0x7FFFFFFF  }
tec
execute0_lowered:
.L_overlay_start_1:
0x0: {  	(tag) =	ssettag $0x1  }
0x1: {  	s3 =	rddreg [dreg:$0x0]  }
0x2: {  	s4 =	rddreg [dreg:$0x1]  }
0x3: {  	s5 =	rddreg [dreg:$0x2]  }
0x4: {  	s6 =	rddreg [dreg:$0x3]  }
0x5: {  	s1 =	rddreg [dreg:$0x4]  }
0x6: {  	s0 =	rddreg [dreg:$0x5];
	s2 =	simm.s32 $0x0  }
0x7: {  	s7 =	srdreg.scid;
	s8 =	stileid.u32;
	s13 =	simm.s32 $0x1100  }
0x8: {  	s14 =	simm.s32 $0xA000;
	s15 =	simm.s32 $0xE000;
	s16 =	simm.s32 $0x12000  }
0x9: {  	s17 =	simm.s32 $0x2;
	s18 =	simm.s32 $0x3;
	s19 =	simm.s32 $0x0  }
0xa: {  	[smem:$0x7FF] =	sst s2;
	s7 =	sand.u32 $0x1, s7;
	s10 =	sshll.u32 s8, $0x9  }
0xb: {  	s3 =	sadd.s32 $0x400, s3;
	s30 =	sshll.u32 s8, $0x10;
	p0 =	sne.s32 s8, $0x0  }
0xc: {  	v0 =	vlaneseq.u32;
	_ =	strace $0x80000047;
	s9 =	ssub.s32 $0x2, s7;
	s11 =	sshll.u32 s7, $0x8  }
.Ltmp0:
0xd: {  	v1 =	vand.u32 $0x3, v0;
	v0 =	vmul.u32 $0x2, v0;
	s31 =	sadd.s32 s30, s6;
	s7 =	sshll.u32 s7, $0xF;
	(pc) =	sbr.rel .LBB2_1-.Ltmp0, $4  }
0xe: {  	s8 =	sshrl.u32 @!p0 s1, $0x3;
	s12 =	sshrl.u32 s9, $0x1;
	s10 =	sor.u32 s11, s10  }
0xf: {  	v1 =	vmul.u32 $0x2, v1;
	s7 =	sadd.s32 s7, s31;
	v2 =	vor.u32 $0x1, v0;
	s11 =	simm.s32 $0x100;
	v3 =	vor.u32 $0x1000, v0;
	s9 =	ssub.s32 s9, s12  }
0x10: {  	v4 =	vor.u32 $0x1001, v0;
	v5 =	vor.u32 $0x2000, v0;
	v6 =	vor.u32 $0x2001, v0;
	s4 =	sadd.s32 s4, s10;
	s5 =	sadd.s32 s5, s10;
	s10 =	simm.s32 $0x1000  }
0x11: {  	v7 =	vor.u32 $0x3000, v0;
	v8 =	vor.u32 $0x3001, v0;
	v1 =	vor.u32 $0xFFFFFFF8, v1;
	s12 =	simm.s32 $0x6000;
	s6 =	smax.u32 s9, $0x1;
	s9 =	simm.s32 $0x1  }
.LBB2_8:
0x12: {  	s19 =	sadd.s32 $0x1, s19  }
0x13: {  	_ =	swait.ge [sflag:s18], $0x4000;
	p1 =	sne.s32 s19, s6  }
.Ltmp1:
0x14: {  	[sflag:s18] =	ssyncset.done $0x0;
	(pc) =	sbr.rel @!p1 .LBB2_9-.Ltmp1, $4  }
0x15: {  	[sflag:s18] =	ssyncadd.s32 $0xFFFFC000  }
0x16: {  	_ =	swait.ge [sflag:s18], $0x4000  }
0x17: {  	[sflag:s18] =	ssyncset.done $0x0  }
0x18: {  	[sflag:s18] =	ssyncadd.s32 $0xFFFFC000  }
.LBB2_1:
0x19: {  	s20 =	simm.s32 @!p0 $0x1C04  }
0x1a: {  	[spmem:s8], [sflag:s20] =	dma.local @!p0 [hbm:s3], $0x2000  }
0x1b: {  	[tilespmem:s2], [sflag:$0x1] =	stream.linear.gather [hbm4b:s4+s2], $0x800, $0x38;
	[tilespmem:$0x16000] =	vst v63  }
0x1c: {  	s20 =	simm.s32 $0x800  }
0x1d: {  	[tilespmem:s20], [sflag:$0x1] =	stream.linear.gather [hbm4b:s5+s2], $0x800, $0x38;
	[tilespmem:$0x16000] =	vst v63  }
0x1e: {  	_ =	swait.ge [sflag:s9], $0x800  }
0x1f: {  	[sflag:s9] =	ssyncset.done $0x0  }
0x20: {  	[sflag:s9] =	ssyncadd.s32 $0xFFFFF800  }
0x21: {  	_ =	swait.ge [sflag:s9], $0x800  }
0x22: {  	[sflag:s9] =	ssyncset.done $0x0  }
0x23: {  	v10 =	vor.u32 s2, v0;
	[sflag:s9] =	ssyncadd.s32 $0xFFFFF800  }
0x24: {  	s22 =	simm.s32 $0x20;
	s21 =	simm.s32 $0x0;
	s23 =	simm.s32 $0x0;
	v10 =	vand.u32 v1, v10;
	v9 =	vld [tilespmem:s2+$0x0]  }
.LBB2_2:
0x25: {  	p1 =	sne.s32 s22, $0xFE0;
	v11 =	vld [tilespmem:s20+$0x0];
	v12 =	vor.u32 s21, v2;
	s21 =	smov.u32 s22;
	_ =	sdelay $0x1  }
.Ltmp2:
0x26: {  	(pc) =	sbr.rel @p1 .LBB2_2-.Ltmp2, $4  }
0x27: {  	_ = 	snop  }
0x28: {  	[tilespmem:v10+s10+$0x0] =	vst.idx.msk $0xffff, v9  }
0x29: {  	s23 =	sadd.s32 $0x10, s23;
	v10 =	vor.u32 s22, v0;
	[tilespmem:v12+s10+$0x0] =	vst.idx.msk $0xffff, v11  }
0x2a: {  	s20 =	sadd.s32 $0x10, s20;
	s22 =	sadd.s32 $0x20, s22;
	v10 =	vand.u32 v1, v10;
	v9 =	vld [tilespmem:s23+$0x0]  }
0x2b: {  	v11 =	vld [tilespmem:s20+$0x0];
	v12 =	vor.u32 s21, v2;
	_ =	sdelay $0x3  }
0x2c: {  	[tilespmem:v10+s10+$0x0] =	vst.idx.msk $0xffff, v9  }
0x2d: {  	s20 =	simm.s32 @!p0 $0x4;
	[tilespmem:v12+s10+$0x0] =	vst.idx.msk $0xffff, v11  }
0x2e: {  	_ =	swait.ge @!p0 [sflag:s20], $0x2000  }
0x2f: {  	[sflag:s20] =	ssyncset.done @!p0 $0x0  }
0x30: {  	[sflag:s20] =	ssyncadd.s32 @!p0 $0xFFFFE000  }
0x31: {  	[bflag:$0x0] =	sbarrier.arrive $0xFFFF  }
0x32: {  	[tilespmem:s12], [sflag:$0x1] =	stream.indirect.gather [spmem:s1], $0x40, s10, s11, $0xb8;
	[tilespmem:$0x16000] =	vst v63  }
0x33: {  	s20 =	simm.s32 $0x0  }
0x34: {  	[tilespmem:s14], [sflag:$0x1] =	stream.indirect.gather [spmem:s1], $0x40, s13, s11, $0xb8;
	[tilespmem:$0x16000] =	vst v63  }
0x35: {  	s21 =	simm.s32 $0x800;
	v9 =	vld [tilespmem:s20+$0x0]  }
0x36: {  	v11 =	vor.u32 s20, v3;
	v10 =	vld [tilespmem:s21+$0x0]  }
0x37: {  	v63 =	vor.u32 s20, v4  }
0x38: {  	v13 =	vor.u32 s20, v5  }
0x39: {  	v14 =	vor.u32 s20, v6  }
0x3a: {  	v15 =	vadd.s32 $0x100, v9  }
0x3b: {  	[tilespmem:v11+s10+$0x0] =	vst.idx.msk $0xffff, v15;
	v11 =	vadd.s32 $0x100, v10  }
0x3c: {  	[tilespmem:v63+s10+$0x0] =	vst.idx.msk $0xffff, v11;
	v11 =	vadd.s32 $0x200, v9  }
0x3d: {  	v16 =	vor.u32 s20, v7;
	[tilespmem:v13+s10+$0x0] =	vst.idx.msk $0xffff, v11;
	v11 =	vadd.s32 $0x200, v10  }
0x3e: {  	[tilespmem:v14+s10+$0x0] =	vst.idx.msk $0xffff, v11;
	v11 =	vadd.s32 $0x300, v9;
	v9 =	vor.u32 s20, v8;
	_ =	sdelay $0x3  }
0x3f: {  	s22 =	simm.s32 $0x20;
	s23 =	simm.s32 $0x0;
	v10 =	vadd.s32 $0x300, v10;
	[tilespmem:v16+s10+$0x0] =	vst.idx.msk $0xffff, v11  }
.LBB2_4:
0x40: {  	p1 =	sne.s32 s22, $0xFE0;
	[tilespmem:v9+s10+$0x0] =	vst.idx.msk $0xffff, v10;
	s23 =	sadd.s32 $0x10, s23;
	s21 =	sadd.s32 $0x10, s21  }
0x41: {  	s24 =	smov.u32 s22;
	s22 =	sadd.s32 $0x20, s22;
	v10 =	vld [tilespmem:s23+$0x0]  }
0x42: {  	v9 =	vor.u32 s24, v3;
	v11 =	vld [tilespmem:s21+$0x0]  }
0x43: {  	v12 =	vor.u32 s24, v4  }
0x44: {  	v13 =	vor.u32 s24, v5  }
0x45: {  	v14 =	vor.u32 s24, v6  }
0x46: {  	v16 =	vor.u32 s24, v7;
	v15 =	vadd.s32 $0x100, v10  }
.Ltmp3:
0x47: {  	[tilespmem:v9+s10+$0x0] =	vst.idx.msk $0xffff, v15;
	v15 =	vadd.s32 $0x100, v11;
	v9 =	vor.u32 s24, v8;
	(pc) =	sbr.rel @p1 .LBB2_4-.Ltmp3, $4  }
0x48: {  	[tilespmem:v12+s10+$0x0] =	vst.idx.msk $0xffff, v15;
	v12 =	vadd.s32 $0x200, v10  }
0x49: {  	[tilespmem:v13+s10+$0x0] =	vst.idx.msk $0xffff, v12;
	v12 =	vadd.s32 $0x200, v11  }
0x4a: {  	v10 =	vadd.s32 $0x300, v10;
	[tilespmem:v14+s10+$0x0] =	vst.idx.msk $0xffff, v12  }
0x4b: {  	[tilespmem:v16+s10+$0x0] =	vst.idx.msk $0xffff, v10;
	v10 =	vadd.s32 $0x300, v11  }
0x4c: {  	_ =	sdelay $0x3  }
0x4d: {  	[tilespmem:v9+s10+$0x0] =	vst.idx.msk $0xffff, v10;
	s21 =	smov.u32 s7;
	s22 =	simm.s32 $0x0  }
.LBB2_6:
0x4e: {  	_ =	swait.ge [sflag:s9], $0x4000  }
0x4f: {  	[sflag:s9] =	ssyncset.done $0x0  }
0x50: {  	s23 =	sshrl.u32 s22, $0x2;
	[sflag:s9] =	ssyncadd.s32 $0xFFFFC000  }
0x51: {  	s23 =	smul.u32 $0xF8000, s23;
	_ =	swait.ge [sflag:s9], $0x4000  }
0x52: {  	[sflag:s9] =	ssyncset.done $0x0  }
0x53: {  	p1 =	seq.s32 s20, $0x0;
	s24 =	sadd.s32 s23, s21;
	[sflag:s9] =	ssyncadd.s32 $0xFFFFC000  }
0x54: {  	[hbm4b:s24+s2] =	stream.linear.scatter [tilespmem:s12], [sflag:$0x2], $0x4000, $0x38;
	[tilespmem:$0x16000] =	vst v63  }
0x55: {  	s25 =	simm.s32 @!p1 $0x3;
	s23 =	sadd.s32 $0x800, s24  }
0x56: {  	[hbm4b:s23+s2] =	stream.linear.scatter [tilespmem:s14], [sflag:$0x2], $0x4000, $0x38;
	[tilespmem:$0x16000] =	vst v63  }
0x57: {  	_ =	swait.ge @!p1 [sflag:s25], $0x4000  }
0x58: {  	[sflag:s25] =	ssyncset.done @!p1 $0x0  }
0x59: {  	[sflag:s25] =	ssyncadd.s32 @!p1 $0xFFFFC000  }
0x5a: {  	_ =	swait.ge @!p1 [sflag:s25], $0x4000  }
0x5b: {  	s23 =	sshra.s32 s20, $0x2;
	[sflag:s25] =	ssyncset.done @!p1 $0x0  }
0x5c: {  	s29 =	sadd.s32 $0x1200, s23;
	[sflag:s25] =	ssyncadd.s32 @!p1 $0xFFFFC000  }
0x5d: {  	[tilespmem:s15], [sflag:$0x1] =	stream.indirect.gather [spmem:s1], $0x40, s29, s11, $0xb8;
	[tilespmem:$0x16000] =	vst v63  }
0x5e: {  	s30 =	sadd.s32 $0x1300, s23  }
0x5f: {  	[tilespmem:s16], [sflag:$0x1] =	stream.indirect.gather [spmem:s1], $0x40, s30, s11, $0xb8;
	[tilespmem:$0x16000] =	vst v63  }
0x60: {  	_ =	swait.ge [sflag:s9], $0x4000  }
0x61: {  	[sflag:s9] =	ssyncset.done $0x0  }
0x62: {  	[sflag:s9] =	ssyncadd.s32 $0xFFFFC000  }
0x63: {  	_ =	swait.ge [sflag:s9], $0x4000  }
0x64: {  	[sflag:s9] =	ssyncset.done $0x0  }
0x65: {  	s31 =	sadd.s32 $0x1000, s24;
	[sflag:s9] =	ssyncadd.s32 $0xFFFFC000  }
0x66: {  	[hbm4b:s31+s2] =	stream.linear.scatter [tilespmem:s15], [sflag:$0x3], $0x4000, $0x38;
	[tilespmem:$0x16000] =	vst v63  }
0x67: {  	s24 =	sadd.s32 $0x1800, s24  }
0x68: {  	[hbm4b:s24+s2] =	stream.linear.scatter [tilespmem:s16], [sflag:$0x3], $0x4000, $0x38;
	[tilespmem:$0x16000] =	vst v63  }
0x69: {  	p1 =	seq.s32 s20, $0xF000;
	_ =	swait.ge [sflag:s17], $0x4000  }
.Ltmp4:
0x6a: {  	[sflag:s17] =	ssyncset.done $0x0;
	(pc) =	sbr.rel @p1 .LBB2_8-.Ltmp4, $4  }
0x6b: {  	[sflag:s17] =	ssyncadd.s32 $0xFFFFC000  }
0x6c: {  	_ =	swait.ge [sflag:s17], $0x4000  }
0x6d: {  	[sflag:s17] =	ssyncset.done $0x0  }
0x6e: {  	[sflag:s17] =	ssyncadd.s32 $0xFFFFC000  }
.Ltmp5:
0x6f: {  	(pc) =	sbr.rel .LBB2_6-.Ltmp5, $4  }
0x70: {  	s24 =	sadd.s32 $0x1400, s23;
	s31 =	sadd.s32 $0x1500, s23  }
0x71: {  	[tilespmem:s12], [sflag:$0x1] =	stream.indirect.gather [spmem:s1], $0x40, s24, s11, $0xb8;
	[tilespmem:$0x16000] =	vst v63  }
0x72: {  	s22 =	sadd.s32 $0x1, s22;
	s20 =	sadd.s32 $0x1000, s20;
	s21 =	sadd.s32 $0x2000, s21  }
0x73: {  	[tilespmem:s14], [sflag:$0x1] =	stream.indirect.gather [spmem:s1], $0x40, s31, s11, $0xb8;
	[tilespmem:$0x16000] =	vst v63  }
.LBB2_9:
0x74: {  	_ =	sfence.sel $0x180000  }
0x75: {  	[bflag:$0x0] =	sbarrier.arrive $0xFFFF  }
0x76: {  	_ =	strace $0x90000047  }
0x77: {  	s0 =	sadd.s32 @!p0 $0x100000, s0;
	[bflag:$0x2] =	sbarrier.arrive $0xFFFF  }
0x78: {  	[sflag:s0] =	ssyncadd.tile.s32 @!p0 $0x1;
	_ =	shalt  }
.Lfunc_end2:
_tile_overlayer_lowered:
.L_overlay_start_2:
0x79: {  	(tag) =	ssettag $0x2  }
0x7a: {  	s0 =	rddreg [dreg:$0x0];
	s2 =	stileid.u32  }
0x7b: {  	s1 =	rddreg [dreg:$0x1];
	p0 =	sne.s32 s2, $0x0  }
0x7c: {  	s3 =	rddreg [dreg:$0x2];
	[bflag:$0x3] =	sbarrier.arrive $0xFFFF;
	s2 =	simm.s32 @!p0 $0x1C05  }
0x7d: {  	[timem:s3], [sflag:s2] =	dma.local @!p0 [hbm:s0], s1  }
0x7e: {  	s0 =	simm.s32 @!p0 $0x5  }
0x7f: {  	_ =	swait.ge @!p0 [sflag:s0], s1  }
0x80: {  	s1 =	ssub.s32 @!p0 $0x0, s1;
	[sflag:s0] =	ssyncset.done @!p0 $0x0  }
0x81: {  	[sflag:s0] =	ssyncadd.s32 @!p0 s1  }
0x82: {  	[bflag:$0x3] =	sbarrier.arrive $0xFFFF  }
0x83: {  	_ =	shalt  }

</sc_bundles>
